<compile_context>
chip_gen: v7x
topology: tpu7x:2x2x1
jax: 0.10.2.dev20260603
libtpu: 0.0.44.dev20260713+nightly
codegen_flags: <defaults>
</compile_context>

<pallas_src>
import functools

import jax
import jax.numpy as jnp
from jax import lax
from jax.experimental import pallas as pl
from jax.experimental.pallas import tpu as pltpu
from jax.experimental.pallas import tpu_sc as plsc

_B = 16384
_D = 64
_NW = 32
_ROWS = _B // _NW
_LANES = 16
_CPD = _D // _LANES
_ICH = 128
_NICH = _ROWS // _ICH


def _make_sc_kernel():
    mesh = plsc.VectorSubcoreMesh(core_axis_name="c", subcore_axis_name="s")

    @functools.partial(
        pl.kernel,
        mesh=mesh,
        out_type=jax.ShapeDtypeStruct((_NW * _LANES,), jnp.float32),
        scratch_types=[
            pltpu.VMEM((_NICH, _ICH), jnp.int32),
            pltpu.VMEM((2, _ICH, _D), jnp.float32),
            pltpu.VMEM((_ROWS // 2, 2 * _D), jnp.float32),
            pltpu.VMEM((_LANES,), jnp.float32),
            pltpu.SemaphoreType.DMA,
            pltpu.SemaphoreType.DMA,
            pltpu.SemaphoreType.DMA,
        ],
        compiler_params=pltpu.CompilerParams(use_tc_tiling_on_sc=False),
    )
    def sc_kernel(table_hbm, idx_hbm, feats_hbm, out_hbm,
                  idx_v, rows_v, feats_v, acc_v,
                  sem_g0, sem_g1, sem_l):
        wid = lax.axis_index("s") * 2 + lax.axis_index("c")
        sems_g = (sem_g0, sem_g1)

        fcp = pltpu.async_copy(
            feats_hbm.at[pl.ds(wid * (_ROWS // 2), _ROWS // 2)],
            feats_v, sem_l)
        pltpu.sync_copy(idx_hbm.at[pl.ds(wid * _NICH, _NICH)], idx_v)

        def fire(ch):
            p = ch % 2
            return pltpu.async_copy(
                table_hbm.at[idx_v.at[ch]], rows_v.at[p], sems_g[p])

        gathers = [fire(0)]
        fcp.wait()

        zero = jnp.zeros((_LANES,), jnp.float32)
        accs = (zero,) * _CPD
        for ch in range(_NICH):
            if ch + 1 < _NICH:
                gathers.append(fire(ch + 1))
            gathers[ch].wait()
            p = ch % 2

            def body(j, accs, p=p, ch=ch):
                frow = ch * (_ICH // 2) + j
                out = list(accs)
                for h in range(2):
                    i = 2 * j + h
                    for c in range(_CPD):
                        f = feats_v[frow,
                                    pl.ds(h * _D + c * _LANES, _LANES)]
                        g = rows_v[p, i, pl.ds(c * _LANES, _LANES)]
                        d = f - g
                        out[c] = out[c] + d * d
                return tuple(out)

            accs = lax.fori_loop(0, _ICH // 2, body, accs)

        acc_v[...] = (accs[0] + accs[1]) + (accs[2] + accs[3])
        pltpu.sync_copy(acc_v, out_hbm.at[pl.ds(wid * _LANES, _LANES)])

    return sc_kernel


_SC_KERNEL = None


def kernel(feats, labels, centers):
    global _SC_KERNEL
    if _SC_KERNEL is None:
        _SC_KERNEL = _make_sc_kernel()
    labels32 = labels.astype(jnp.int32)
    idx = labels32.reshape(_NW * _NICH, _ICH)
    feats128 = feats.reshape(_B // 2, 2 * _D)
    partials = _SC_KERNEL(centers, idx, feats128)
    return jnp.sum(partials) * (0.5 / _B)

# --- scband reference (transcript-rebuilt; emitter-appended) ---
"""Pipeline reference for scband-center-loss-7215545057910 (READ-ONLY COPY).

The authoritative reference and input builder live on the scoring server;
editing this copy changes nothing except your own understanding.
"""

import jax, jax.numpy as jnp
import numpy as np

NUM_CLASSES = 1000000
FEAT_DIM = 64
BATCH = 16384


def setup_inputs(seed: int = 0) -> dict:
    key = jax.random.key(seed)
    k1, k2, k3 = jax.random.split(key, 3)
    feats = jax.random.normal(k1, (BATCH, FEAT_DIM), dtype=jnp.float32)
    labels = jax.random.randint(k2, (BATCH,), 0, NUM_CLASSES, dtype=jnp.int64)
    centers = jax.random.normal(k3, (NUM_CLASSES, FEAT_DIM), dtype=jnp.float32)
    return {"feats": feats, "labels": labels, "centers": centers}


def reference(feats, labels, centers):
    # CenterLoss: mean over batch of 0.5 * ||feat - center[label]||^2
    gathered = jnp.take(centers, labels, axis=0)  # [B, D] gather (SparseCore-friendly)
    diff = feats - gathered
    loss = jnp.mean(jnp.sum(diff * diff, axis=1)) / 2.0
    return loss

if __name__ == "__main__":
    import jax
    _d = setup_inputs()
    print(jax.jit(kernel)(*tuple(_d.values())))

</pallas_src>

<mosaic_0001>
#map = affine_map<(d0, d1) -> (0, 0)>
#map1 = affine_map<(d0, d1) -> (0)>
module attributes {stable_mosaic.version = 14 : i64} {
  func.func @sc_kernel(%arg0: i32, %arg1: i32, %arg2: memref<1000000x64xf32, #tpu.memory_space<hbm>>, %arg3: memref<128x128xi32, #tpu.memory_space<hbm>>, %arg4: memref<8192x128xf32, #tpu.memory_space<hbm>>, %arg5: memref<512xf32, #tpu.memory_space<hbm>>, %arg6: memref<4x128xi32, #tpu.memory_space<vmem>>, %arg7: memref<2x128x64xf32, #tpu.memory_space<vmem>>, %arg8: memref<256x128xf32, #tpu.memory_space<vmem>>, %arg9: memref<16xf32, #tpu.memory_space<vmem>>, %arg10: memref<!tpu.dma_semaphore, #tpu.memory_space<semaphore_mem>>, %arg11: memref<!tpu.dma_semaphore, #tpu.memory_space<semaphore_mem>>, %arg12: memref<!tpu.dma_semaphore, #tpu.memory_space<semaphore_mem>>) attributes {dimension_semantics = [#tpu.dimension_semantics<core_parallel>, #tpu.dimension_semantics<subcore_parallel>], iteration_bounds = array<i64: 2, 16>, scalar_prefetch = 0 : i64, scratch_operands = 7 : i64, tpu.core_type = #tpu.core_type<sc_vector_subcore>, window_params = [{transform_indices = #map}, {transform_indices = #map}, {transform_indices = #map}, {transform_indices = #map1}]} {
    %mul3A = arith.constant 2 : i32
    %mul3A_0 = arith.muli %arg1, %mul3A : i32
    %add3A = arith.addi %mul3A_0, %arg0 : i32
    %mul3A_1 = arith.constant 256 : i32
    %mul3A_2 = arith.muli %add3A, %mul3A_1 : i32
    %dma_start3A = arith.constant 0 : i32
    %dma_start3A_3 = tpu.memref_slice %arg4[%mul3A_2, %dma_start3A] : memref<8192x128xf32, #tpu.memory_space<hbm>> -> memref<256x128xf32, #tpu.memory_space<hbm>>
    %dma_start3A_4 = arith.constant 0 : i32
    %dma_start3A_5 = tpu.memref_slice %arg4[%mul3A_2, %dma_start3A_4] : memref<8192x128xf32, #tpu.memory_space<hbm>> -> memref<256x128xf32, #tpu.memory_space<hbm>>
    tpu.enqueue_dma source(%dma_start3A_5 : memref<256x128xf32, #tpu.memory_space<hbm>>) target(%arg8 : memref<256x128xf32, #tpu.memory_space<vmem>>) target_semaphore(%arg12 : memref<!tpu.dma_semaphore, #tpu.memory_space<semaphore_mem>>)
    %mul3A_6 = arith.constant 4 : i32
    %mul3A_7 = arith.muli %add3A, %mul3A_6 : i32
    "tpu.region"() ({
      %run_scoped3A = tpu.sem_alloc : memref<!tpu.dma_semaphore, #tpu.memory_space<semaphore_mem>>
      %dma_start3A_139 = arith.constant 0 : i32
      %dma_start3A_140 = tpu.memref_slice %arg3[%mul3A_7, %dma_start3A_139] : memref<128x128xi32, #tpu.memory_space<hbm>> -> memref<4x128xi32, #tpu.memory_space<hbm>>
      %dma_start3A_141 = arith.constant 0 : i32
      %dma_start3A_142 = tpu.memref_slice %arg3[%mul3A_7, %dma_start3A_141] : memref<128x128xi32, #tpu.memory_space<hbm>> -> memref<4x128xi32, #tpu.memory_space<hbm>>
      tpu.enqueue_dma source(%dma_start3A_142 : memref<4x128xi32, #tpu.memory_space<hbm>>) target(%arg6 : memref<4x128xi32, #tpu.memory_space<vmem>>) target_semaphore(%run_scoped3A : memref<!tpu.dma_semaphore, #tpu.memory_space<semaphore_mem>>)
      %dma_wait3A_143 = arith.constant 0 : i32
      %dma_wait3A_144 = tpu.memref_slice %arg3[%mul3A_7, %dma_wait3A_143] : memref<128x128xi32, #tpu.memory_space<hbm>> -> memref<4x128xi32, #tpu.memory_space<hbm>>
      %dma_wait3A_145 = arith.constant 0 : i32
      %dma_wait3A_146 = tpu.memref_slice %arg3[%mul3A_7, %dma_wait3A_145] : memref<128x128xi32, #tpu.memory_space<hbm>> -> memref<4x128xi32, #tpu.memory_space<hbm>>
      tpu.wait_dma2 semaphore(%run_scoped3A : memref<!tpu.dma_semaphore, #tpu.memory_space<semaphore_mem>>) src(%dma_wait3A_146 : memref<4x128xi32, #tpu.memory_space<hbm>>) dst(%arg6 : memref<4x128xi32, #tpu.memory_space<vmem>>)
      tpu.yield
    }) : () -> ()
    %dma_start3A_8 = arith.constant 0 : i32
    %dma_start3A_9 = arith.constant 0 : i32
    %dma_start3A_10 = arith.constant 0 : i32
    %dma_start3A_11 = arith.constant 0 : i32
    %dma_start3A_12 = tpu.memref_slice %arg7[%dma_start3A_9, %dma_start3A_10, %dma_start3A_11] : memref<2x128x64xf32, #tpu.memory_space<vmem>> -> memref<1x128x64xf32, #tpu.memory_space<vmem>>
    %dma_start3A_13 = tpu.memref_squeeze %dma_start3A_12 : memref<1x128x64xf32, #tpu.memory_space<vmem>> -> memref<128x64xf32, #tpu.memory_space<vmem>>
    %dma_start3A_14 = arith.constant 0 : i32
    %dma_start3A_15 = tpu.memref_slice %arg6[%dma_start3A_8, %dma_start3A_14] : memref<4x128xi32, #tpu.memory_space<vmem>> -> memref<1x128xi32, #tpu.memory_space<vmem>>
    %dma_start3A_16 = tpu.memref_squeeze %dma_start3A_15 : memref<1x128xi32, #tpu.memory_space<vmem>> -> memref<128xi32, #tpu.memory_space<vmem>>
    %dma_start3A_17 = arith.constant 0 : i32
    %dma_start3A_18 = arith.constant 0 : i32
    %dma_start3A_19 = tpu.memref_slice %arg2[%dma_start3A_17, %dma_start3A_18] : memref<1000000x64xf32, #tpu.memory_space<hbm>> -> memref<1000000x64xf32, #tpu.memory_space<hbm>>
    tpu.enqueue_indirect_dma source(%dma_start3A_19 : memref<1000000x64xf32, #tpu.memory_space<hbm>>) target(%dma_start3A_13 : memref<128x64xf32, #tpu.memory_space<vmem>>) offsets(%dma_start3A_16 : memref<128xi32, #tpu.memory_space<vmem>>) semaphore(%arg10 : memref<!tpu.dma_semaphore, #tpu.memory_space<semaphore_mem>>)
    %dma_wait3A = arith.constant 0 : i32
    %dma_wait3A_20 = tpu.memref_slice %arg4[%mul3A_2, %dma_wait3A] : memref<8192x128xf32, #tpu.memory_space<hbm>> -> memref<256x128xf32, #tpu.memory_space<hbm>>
    %dma_wait3A_21 = arith.constant 0 : i32
    %dma_wait3A_22 = tpu.memref_slice %arg4[%mul3A_2, %dma_wait3A_21] : memref<8192x128xf32, #tpu.memory_space<hbm>> -> memref<256x128xf32, #tpu.memory_space<hbm>>
    tpu.wait_dma2 semaphore(%arg12 : memref<!tpu.dma_semaphore, #tpu.memory_space<semaphore_mem>>) src(%dma_wait3A_22 : memref<256x128xf32, #tpu.memory_space<hbm>>) dst(%arg8 : memref<256x128xf32, #tpu.memory_space<vmem>>)
    %broadcast_in_dim3A = arith.constant 0.000000e+00 : f32
    %broadcast_in_dim3A_23 = vector.broadcast %broadcast_in_dim3A : f32 to vector<16xf32>
    %dma_start3A_24 = arith.constant 1 : i32
    %dma_start3A_25 = arith.constant 1 : i32
    %dma_start3A_26 = arith.constant 0 : i32
    %dma_start3A_27 = arith.constant 0 : i32
    %dma_start3A_28 = tpu.memref_slice %arg7[%dma_start3A_25, %dma_start3A_26, %dma_start3A_27] : memref<2x128x64xf32, #tpu.memory_space<vmem>> -> memref<1x128x64xf32, #tpu.memory_space<vmem>>
    %dma_start3A_29 = tpu.memref_squeeze %dma_start3A_28 : memref<1x128x64xf32, #tpu.memory_space<vmem>> -> memref<128x64xf32, #tpu.memory_space<vmem>>
    %dma_start3A_30 = arith.constant 0 : i32
    %dma_start3A_31 = tpu.memref_slice %arg6[%dma_start3A_24, %dma_start3A_30] : memref<4x128xi32, #tpu.memory_space<vmem>> -> memref<1x128xi32, #tpu.memory_space<vmem>>
    %dma_start3A_32 = tpu.memref_squeeze %dma_start3A_31 : memref<1x128xi32, #tpu.memory_space<vmem>> -> memref<128xi32, #tpu.memory_space<vmem>>
    %dma_start3A_33 = arith.constant 0 : i32
    %dma_start3A_34 = arith.constant 0 : i32
    %dma_start3A_35 = tpu.memref_slice %arg2[%dma_start3A_33, %dma_start3A_34] : memref<1000000x64xf32, #tpu.memory_space<hbm>> -> memref<1000000x64xf32, #tpu.memory_space<hbm>>
    tpu.enqueue_indirect_dma source(%dma_start3A_35 : memref<1000000x64xf32, #tpu.memory_space<hbm>>) target(%dma_start3A_29 : memref<128x64xf32, #tpu.memory_space<vmem>>) offsets(%dma_start3A_32 : memref<128xi32, #tpu.memory_space<vmem>>) semaphore(%arg11 : memref<!tpu.dma_semaphore, #tpu.memory_space<semaphore_mem>>)
    %dma_wait3A_36 = arith.constant 0 : i32
    %dma_wait3A_37 = arith.constant 0 : i32
    %dma_wait3A_38 = arith.constant 0 : i32
    %dma_wait3A_39 = arith.constant 0 : i32
    %dma_wait3A_40 = tpu.memref_slice %arg7[%dma_wait3A_37, %dma_wait3A_38, %dma_wait3A_39] : memref<2x128x64xf32, #tpu.memory_space<vmem>> -> memref<1x128x64xf32, #tpu.memory_space<vmem>>
    %dma_wait3A_41 = tpu.memref_squeeze %dma_wait3A_40 : memref<1x128x64xf32, #tpu.memory_space<vmem>> -> memref<128x64xf32, #tpu.memory_space<vmem>>
    %dma_wait3A_42 = arith.constant 0 : i32
    %dma_wait3A_43 = tpu.memref_slice %arg6[%dma_wait3A_36, %dma_wait3A_42] : memref<4x128xi32, #tpu.memory_space<vmem>> -> memref<1x128xi32, #tpu.memory_space<vmem>>
    %dma_wait3A_44 = tpu.memref_squeeze %dma_wait3A_43 : memref<1x128xi32, #tpu.memory_space<vmem>> -> memref<128xi32, #tpu.memory_space<vmem>>
    %dma_wait3A_45 = arith.constant 0 : i32
    %dma_wait3A_46 = arith.constant 0 : i32
    %dma_wait3A_47 = tpu.memref_slice %arg2[%dma_wait3A_45, %dma_wait3A_46] : memref<1000000x64xf32, #tpu.memory_space<hbm>> -> memref<1000000x64xf32, #tpu.memory_space<hbm>>
    tpu.wait_indirect_dma semaphore(%arg10 : memref<!tpu.dma_semaphore, #tpu.memory_space<semaphore_mem>>) src(%dma_wait3A_47 : memref<1000000x64xf32, #tpu.memory_space<hbm>>) dst(%dma_wait3A_41 : memref<128x64xf32, #tpu.memory_space<vmem>>)
    %scan3A = arith.constant 0 : i32
    %scan3A_48 = arith.constant 64 : i32
    %scan3A_49 = arith.addi %scan3A, %scan3A_48 : i32
    %scan3A_50 = arith.constant 1 : i32
    %scan3A_51:4 = scf.for %scan3A_139 = %scan3A to %scan3A_49 step %scan3A_50 iter_args(%scan3A_140 = %broadcast_in_dim3A_23, %scan3A_141 = %broadcast_in_dim3A_23, %scan3A_142 = %broadcast_in_dim3A_23, %scan3A_143 = %broadcast_in_dim3A_23) -> (vector<16xf32>, vector<16xf32>, vector<16xf32>, vector<16xf32>)  : i32 {
      %add3A_144 = arith.constant 0 : i32
      %add3A_145 = arith.addi %add3A_144, %scan3A_139 : i32
      %mul3A_146 = arith.constant 2 : i32
      %mul3A_147 = arith.muli %mul3A_146, %scan3A_139 : i32
      %add3A_148 = arith.constant 0 : i32
      %add3A_149 = arith.addi %mul3A_147, %add3A_148 : i32
      %get3A = arith.index_cast %add3A_145 : i32 to index
      %get3A_150 = arith.constant 0 : index
      %get3A_151 = tpu.vector_load %arg8[%get3A, %get3A_150] {strides = array<i32>} : memref<256x128xf32, #tpu.memory_space<vmem>>, vector<1x16xf32>,
      %get3A_152 = vector.shape_cast %get3A_151 : vector<1x16xf32> to vector<16xf32>
      %get3A_153 = arith.constant 0 : i32
      %get3A_154 = arith.index_cast %get3A_153 : i32 to index
      %get3A_155 = arith.index_cast %add3A_149 : i32 to index
      %get3A_156 = arith.constant 0 : index
      %get3A_157 = tpu.vector_load %arg7[%get3A_154, %get3A_155, %get3A_156] {strides = array<i32>} : memref<2x128x64xf32, #tpu.memory_space<vmem>>, vector<1x1x16xf32>,
      %get3A_158 = vector.shape_cast %get3A_157 : vector<1x1x16xf32> to vector<16xf32>
      %sub3A = arith.subf %get3A_152, %get3A_158 : vector<16xf32>
      %mul3A_159 = arith.mulf %sub3A, %sub3A : vector<16xf32>
      %add3A_160 = arith.addf %scan3A_140, %mul3A_159 : vector<16xf32>
      %get3A_161 = arith.index_cast %add3A_145 : i32 to index
      %get3A_162 = arith.constant 16 : index
      %get3A_163 = tpu.vector_load %arg8[%get3A_161, %get3A_162] {strides = array<i32>} : memref<256x128xf32, #tpu.memory_space<vmem>>, vector<1x16xf32>,
      %get3A_164 = vector.shape_cast %get3A_163 : vector<1x16xf32> to vector<16xf32>
      %get3A_165 = arith.constant 0 : i32
      %get3A_166 = arith.index_cast %get3A_165 : i32 to index
      %get3A_167 = arith.index_cast %add3A_149 : i32 to index
      %get3A_168 = arith.constant 16 : index
      %get3A_169 = tpu.vector_load %arg7[%get3A_166, %get3A_167, %get3A_168] {strides = array<i32>} : memref<2x128x64xf32, #tpu.memory_space<vmem>>, vector<1x1x16xf32>,
      %get3A_170 = vector.shape_cast %get3A_169 : vector<1x1x16xf32> to vector<16xf32>
      %sub3A_171 = arith.subf %get3A_164, %get3A_170 : vector<16xf32>
      %mul3A_172 = arith.mulf %sub3A_171, %sub3A_171 : vector<16xf32>
      %add3A_173 = arith.addf %scan3A_141, %mul3A_172 : vector<16xf32>
      %get3A_174 = arith.index_cast %add3A_145 : i32 to index
      %get3A_175 = arith.constant 32 : index
      %get3A_176 = tpu.vector_load %arg8[%get3A_174, %get3A_175] {strides = array<i32>} : memref<256x128xf32, #tpu.memory_space<vmem>>, vector<1x16xf32>,
      %get3A_177 = vector.shape_cast %get3A_176 : vector<1x16xf32> to vector<16xf32>
      %get3A_178 = arith.constant 0 : i32
      %get3A_179 = arith.index_cast %get3A_178 : i32 to index
      %get3A_180 = arith.index_cast %add3A_149 : i32 to index
      %get3A_181 = arith.constant 32 : index
      %get3A_182 = tpu.vector_load %arg7[%get3A_179, %get3A_180, %get3A_181] {strides = array<i32>} : memref<2x128x64xf32, #tpu.memory_space<vmem>>, vector<1x1x16xf32>,
      %get3A_183 = vector.shape_cast %get3A_182 : vector<1x1x16xf32> to vector<16xf32>
      %sub3A_184 = arith.subf %get3A_177, %get3A_183 : vector<16xf32>
      %mul3A_185 = arith.mulf %sub3A_184, %sub3A_184 : vector<16xf32>
      %add3A_186 = arith.addf %scan3A_142, %mul3A_185 : vector<16xf32>
      %get3A_187 = arith.index_cast %add3A_145 : i32 to index
      %get3A_188 = arith.constant 48 : index
      %get3A_189 = tpu.vector_load %arg8[%get3A_187, %get3A_188] {strides = array<i32>} : memref<256x128xf32, #tpu.memory_space<vmem>>, vector<1x16xf32>,
      %get3A_190 = vector.shape_cast %get3A_189 : vector<1x16xf32> to vector<16xf32>
      %get3A_191 = arith.constant 0 : i32
      %get3A_192 = arith.index_cast %get3A_191 : i32 to index
      %get3A_193 = arith.index_cast %add3A_149 : i32 to index
      %get3A_194 = arith.constant 48 : index
      %get3A_195 = tpu.vector_load %arg7[%get3A_192, %get3A_193, %get3A_194] {strides = array<i32>} : memref<2x128x64xf32, #tpu.memory_space<vmem>>, vector<1x1x16xf32>,
      %get3A_196 = vector.shape_cast %get3A_195 : vector<1x1x16xf32> to vector<16xf32>
      %sub3A_197 = arith.subf %get3A_190, %get3A_196 : vector<16xf32>
      %mul3A_198 = arith.mulf %sub3A_197, %sub3A_197 : vector<16xf32>
      %add3A_199 = arith.addf %scan3A_143, %mul3A_198 : vector<16xf32>
      %mul3A_200 = arith.constant 2 : i32
      %mul3A_201 = arith.muli %mul3A_200, %scan3A_139 : i32
      %add3A_202 = arith.constant 1 : i32
      %add3A_203 = arith.addi %mul3A_201, %add3A_202 : i32
      %get3A_204 = arith.index_cast %add3A_145 : i32 to index
      %get3A_205 = arith.constant 64 : index
      %get3A_206 = tpu.vector_load %arg8[%get3A_204, %get3A_205] {strides = array<i32>} : memref<256x128xf32, #tpu.memory_space<vmem>>, vector<1x16xf32>,
      %get3A_207 = vector.shape_cast %get3A_206 : vector<1x16xf32> to vector<16xf32>
      %get3A_208 = arith.constant 0 : i32
      %get3A_209 = arith.index_cast %get3A_208 : i32 to index
      %get3A_210 = arith.index_cast %add3A_203 : i32 to index
      %get3A_211 = arith.constant 0 : index
      %get3A_212 = tpu.vector_load %arg7[%get3A_209, %get3A_210, %get3A_211] {strides = array<i32>} : memref<2x128x64xf32, #tpu.memory_space<vmem>>, vector<1x1x16xf32>,
      %get3A_213 = vector.shape_cast %get3A_212 : vector<1x1x16xf32> to vector<16xf32>
      %sub3A_214 = arith.subf %get3A_207, %get3A_213 : vector<16xf32>
      %mul3A_215 = arith.mulf %sub3A_214, %sub3A_214 : vector<16xf32>
      %add3A_216 = arith.addf %add3A_160, %mul3A_215 : vector<16xf32>
      %get3A_217 = arith.index_cast %add3A_145 : i32 to index
      %get3A_218 = arith.constant 80 : index
      %get3A_219 = tpu.vector_load %arg8[%get3A_217, %get3A_218] {strides = array<i32>} : memref<256x128xf32, #tpu.memory_space<vmem>>, vector<1x16xf32>,
      %get3A_220 = vector.shape_cast %get3A_219 : vector<1x16xf32> to vector<16xf32>
      %get3A_221 = arith.constant 0 : i32
      %get3A_222 = arith.index_cast %get3A_221 : i32 to index
      %get3A_223 = arith.index_cast %add3A_203 : i32 to index
      %get3A_224 = arith.constant 16 : index
      %get3A_225 = tpu.vector_load %arg7[%get3A_222, %get3A_223, %get3A_224] {strides = array<i32>} : memref<2x128x64xf32, #tpu.memory_space<vmem>>, vector<1x1x16xf32>,
      %get3A_226 = vector.shape_cast %get3A_225 : vector<1x1x16xf32> to vector<16xf32>
      %sub3A_227 = arith.subf %get3A_220, %get3A_226 : vector<16xf32>
      %mul3A_228 = arith.mulf %sub3A_227, %sub3A_227 : vector<16xf32>
      %add3A_229 = arith.addf %add3A_173, %mul3A_228 : vector<16xf32>
      %get3A_230 = arith.index_cast %add3A_145 : i32 to index
      %get3A_231 = arith.constant 96 : index
      %get3A_232 = tpu.vector_load %arg8[%get3A_230, %get3A_231] {strides = array<i32>} : memref<256x128xf32, #tpu.memory_space<vmem>>, vector<1x16xf32>,
      %get3A_233 = vector.shape_cast %get3A_232 : vector<1x16xf32> to vector<16xf32>
      %get3A_234 = arith.constant 0 : i32
      %get3A_235 = arith.index_cast %get3A_234 : i32 to index
      %get3A_236 = arith.index_cast %add3A_203 : i32 to index
      %get3A_237 = arith.constant 32 : index
      %get3A_238 = tpu.vector_load %arg7[%get3A_235, %get3A_236, %get3A_237] {strides = array<i32>} : memref<2x128x64xf32, #tpu.memory_space<vmem>>, vector<1x1x16xf32>,
      %get3A_239 = vector.shape_cast %get3A_238 : vector<1x1x16xf32> to vector<16xf32>
      %sub3A_240 = arith.subf %get3A_233, %get3A_239 : vector<16xf32>
      %mul3A_241 = arith.mulf %sub3A_240, %sub3A_240 : vector<16xf32>
      %add3A_242 = arith.addf %add3A_186, %mul3A_241 : vector<16xf32>
      %get3A_243 = arith.index_cast %add3A_145 : i32 to index
      %get3A_244 = arith.constant 112 : index
      %get3A_245 = tpu.vector_load %arg8[%get3A_243, %get3A_244] {strides = array<i32>} : memref<256x128xf32, #tpu.memory_space<vmem>>, vector<1x16xf32>,
      %get3A_246 = vector.shape_cast %get3A_245 : vector<1x16xf32> to vector<16xf32>
      %get3A_247 = arith.constant 0 : i32
      %get3A_248 = arith.index_cast %get3A_247 : i32 to index
      %get3A_249 = arith.index_cast %add3A_203 : i32 to index
      %get3A_250 = arith.constant 48 : index
      %get3A_251 = tpu.vector_load %arg7[%get3A_248, %get3A_249, %get3A_250] {strides = array<i32>} : memref<2x128x64xf32, #tpu.memory_space<vmem>>, vector<1x1x16xf32>,
      %get3A_252 = vector.shape_cast %get3A_251 : vector<1x1x16xf32> to vector<16xf32>
      %sub3A_253 = arith.subf %get3A_246, %get3A_252 : vector<16xf32>
      %mul3A_254 = arith.mulf %sub3A_253, %sub3A_253 : vector<16xf32>
      %add3A_255 = arith.addf %add3A_199, %mul3A_254 : vector<16xf32>
      scf.yield %add3A_216, %add3A_229, %add3A_242, %add3A_255 : vector<16xf32>, vector<16xf32>, vector<16xf32>, vector<16xf32>
    }
    %scan3A_52 = arith.constant 64 : i32
    %dma_start3A_53 = arith.constant 2 : i32
    %dma_start3A_54 = arith.constant 0 : i32
    %dma_start3A_55 = arith.constant 0 : i32
    %dma_start3A_56 = arith.constant 0 : i32
    %dma_start3A_57 = tpu.memref_slice %arg7[%dma_start3A_54, %dma_start3A_55, %dma_start3A_56] : memref<2x128x64xf32, #tpu.memory_space<vmem>> -> memref<1x128x64xf32, #tpu.memory_space<vmem>>
    %dma_start3A_58 = tpu.memref_squeeze %dma_start3A_57 : memref<1x128x64xf32, #tpu.memory_space<vmem>> -> memref<128x64xf32, #tpu.memory_space<vmem>>
    %dma_start3A_59 = arith.constant 0 : i32
    %dma_start3A_60 = tpu.memref_slice %arg6[%dma_start3A_53, %dma_start3A_59] : memref<4x128xi32, #tpu.memory_space<vmem>> -> memref<1x128xi32, #tpu.memory_space<vmem>>
    %dma_start3A_61 = tpu.memref_squeeze %dma_start3A_60 : memref<1x128xi32, #tpu.memory_space<vmem>> -> memref<128xi32, #tpu.memory_space<vmem>>
    %dma_start3A_62 = arith.constant 0 : i32
    %dma_start3A_63 = arith.constant 0 : i32
    %dma_start3A_64 = tpu.memref_slice %arg2[%dma_start3A_62, %dma_start3A_63] : memref<1000000x64xf32, #tpu.memory_space<hbm>> -> memref<1000000x64xf32, #tpu.memory_space<hbm>>
    tpu.enqueue_indirect_dma source(%dma_start3A_64 : memref<1000000x64xf32, #tpu.memory_space<hbm>>) target(%dma_start3A_58 : memref<128x64xf32, #tpu.memory_space<vmem>>) offsets(%dma_start3A_61 : memref<128xi32, #tpu.memory_space<vmem>>) semaphore(%arg10 : memref<!tpu.dma_semaphore, #tpu.memory_space<semaphore_mem>>)
    %dma_wait3A_65 = arith.constant 1 : i32
    %dma_wait3A_66 = arith.constant 1 : i32
    %dma_wait3A_67 = arith.constant 0 : i32
    %dma_wait3A_68 = arith.constant 0 : i32
    %dma_wait3A_69 = tpu.memref_slice %arg7[%dma_wait3A_66, %dma_wait3A_67, %dma_wait3A_68] : memref<2x128x64xf32, #tpu.memory_space<vmem>> -> memref<1x128x64xf32, #tpu.memory_space<vmem>>
    %dma_wait3A_70 = tpu.memref_squeeze %dma_wait3A_69 : memref<1x128x64xf32, #tpu.memory_space<vmem>> -> memref<128x64xf32, #tpu.memory_space<vmem>>
    %dma_wait3A_71 = arith.constant 0 : i32
    %dma_wait3A_72 = tpu.memref_slice %arg6[%dma_wait3A_65, %dma_wait3A_71] : memref<4x128xi32, #tpu.memory_space<vmem>> -> memref<1x128xi32, #tpu.memory_space<vmem>>
    %dma_wait3A_73 = tpu.memref_squeeze %dma_wait3A_72 : memref<1x128xi32, #tpu.memory_space<vmem>> -> memref<128xi32, #tpu.memory_space<vmem>>
    %dma_wait3A_74 = arith.constant 0 : i32
    %dma_wait3A_75 = arith.constant 0 : i32
    %dma_wait3A_76 = tpu.memref_slice %arg2[%dma_wait3A_74, %dma_wait3A_75] : memref<1000000x64xf32, #tpu.memory_space<hbm>> -> memref<1000000x64xf32, #tpu.memory_space<hbm>>
    tpu.wait_indirect_dma semaphore(%arg11 : memref<!tpu.dma_semaphore, #tpu.memory_space<semaphore_mem>>) src(%dma_wait3A_76 : memref<1000000x64xf32, #tpu.memory_space<hbm>>) dst(%dma_wait3A_70 : memref<128x64xf32, #tpu.memory_space<vmem>>)
    %scan3A_77 = arith.constant 0 : i32
    %scan3A_78 = arith.constant 64 : i32
    %scan3A_79 = arith.addi %scan3A_77, %scan3A_78 : i32
    %scan3A_80 = arith.constant 1 : i32
    %scan3A_81:4 = scf.for %scan3A_139 = %scan3A_77 to %scan3A_79 step %scan3A_80 iter_args(%scan3A_140 = %scan3A_51#0, %scan3A_141 = %scan3A_51#1, %scan3A_142 = %scan3A_51#2, %scan3A_143 = %scan3A_51#3) -> (vector<16xf32>, vector<16xf32>, vector<16xf32>, vector<16xf32>)  : i32 {
      %add3A_144 = arith.constant 64 : i32
      %add3A_145 = arith.addi %add3A_144, %scan3A_139 : i32
      %mul3A_146 = arith.constant 2 : i32
      %mul3A_147 = arith.muli %mul3A_146, %scan3A_139 : i32
      %add3A_148 = arith.constant 0 : i32
      %add3A_149 = arith.addi %mul3A_147, %add3A_148 : i32
      %get3A = arith.index_cast %add3A_145 : i32 to index
      %get3A_150 = arith.constant 0 : index
      %get3A_151 = tpu.vector_load %arg8[%get3A, %get3A_150] {strides = array<i32>} : memref<256x128xf32, #tpu.memory_space<vmem>>, vector<1x16xf32>,
      %get3A_152 = vector.shape_cast %get3A_151 : vector<1x16xf32> to vector<16xf32>
      %get3A_153 = arith.constant 1 : i32
      %get3A_154 = arith.index_cast %get3A_153 : i32 to index
      %get3A_155 = arith.index_cast %add3A_149 : i32 to index
      %get3A_156 = arith.constant 0 : index
      %get3A_157 = tpu.vector_load %arg7[%get3A_154, %get3A_155, %get3A_156] {strides = array<i32>} : memref<2x128x64xf32, #tpu.memory_space<vmem>>, vector<1x1x16xf32>,
      %get3A_158 = vector.shape_cast %get3A_157 : vector<1x1x16xf32> to vector<16xf32>
      %sub3A = arith.subf %get3A_152, %get3A_158 : vector<16xf32>
      %mul3A_159 = arith.mulf %sub3A, %sub3A : vector<16xf32>
      %add3A_160 = arith.addf %scan3A_140, %mul3A_159 : vector<16xf32>
      %get3A_161 = arith.index_cast %add3A_145 : i32 to index
      %get3A_162 = arith.constant 16 : index
      %get3A_163 = tpu.vector_load %arg8[%get3A_161, %get3A_162] {strides = array<i32>} : memref<256x128xf32, #tpu.memory_space<vmem>>, vector<1x16xf32>,
      %get3A_164 = vector.shape_cast %get3A_163 : vector<1x16xf32> to vector<16xf32>
      %get3A_165 = arith.constant 1 : i32
      %get3A_166 = arith.index_cast %get3A_165 : i32 to index
      %get3A_167 = arith.index_cast %add3A_149 : i32 to index
      %get3A_168 = arith.constant 16 : index
      %get3A_169 = tpu.vector_load %arg7[%get3A_166, %get3A_167, %get3A_168] {strides = array<i32>} : memref<2x128x64xf32, #tpu.memory_space<vmem>>, vector<1x1x16xf32>,
      %get3A_170 = vector.shape_cast %get3A_169 : vector<1x1x16xf32> to vector<16xf32>
      %sub3A_171 = arith.subf %get3A_164, %get3A_170 : vector<16xf32>
      %mul3A_172 = arith.mulf %sub3A_171, %sub3A_171 : vector<16xf32>
      %add3A_173 = arith.addf %scan3A_141, %mul3A_172 : vector<16xf32>
      %get3A_174 = arith.index_cast %add3A_145 : i32 to index
      %get3A_175 = arith.constant 32 : index
      %get3A_176 = tpu.vector_load %arg8[%get3A_174, %get3A_175] {strides = array<i32>} : memref<256x128xf32, #tpu.memory_space<vmem>>, vector<1x16xf32>,
      %get3A_177 = vector.shape_cast %get3A_176 : vector<1x16xf32> to vector<16xf32>
      %get3A_178 = arith.constant 1 : i32
      %get3A_179 = arith.index_cast %get3A_178 : i32 to index
      %get3A_180 = arith.index_cast %add3A_149 : i32 to index
      %get3A_181 = arith.constant 32 : index
      %get3A_182 = tpu.vector_load %arg7[%get3A_179, %get3A_180, %get3A_181] {strides = array<i32>} : memref<2x128x64xf32, #tpu.memory_space<vmem>>, vector<1x1x16xf32>,
      %get3A_183 = vector.shape_cast %get3A_182 : vector<1x1x16xf32> to vector<16xf32>
      %sub3A_184 = arith.subf %get3A_177, %get3A_183 : vector<16xf32>
      %mul3A_185 = arith.mulf %sub3A_184, %sub3A_184 : vector<16xf32>
      %add3A_186 = arith.addf %scan3A_142, %mul3A_185 : vector<16xf32>
      %get3A_187 = arith.index_cast %add3A_145 : i32 to index
      %get3A_188 = arith.constant 48 : index
      %get3A_189 = tpu.vector_load %arg8[%get3A_187, %get3A_188] {strides = array<i32>} : memref<256x128xf32, #tpu.memory_space<vmem>>, vector<1x16xf32>,
      %get3A_190 = vector.shape_cast %get3A_189 : vector<1x16xf32> to vector<16xf32>
      %get3A_191 = arith.constant 1 : i32
      %get3A_192 = arith.index_cast %get3A_191 : i32 to index
      %get3A_193 = arith.index_cast %add3A_149 : i32 to index
      %get3A_194 = arith.constant 48 : index
      %get3A_195 = tpu.vector_load %arg7[%get3A_192, %get3A_193, %get3A_194] {strides = array<i32>} : memref<2x128x64xf32, #tpu.memory_space<vmem>>, vector<1x1x16xf32>,
      %get3A_196 = vector.shape_cast %get3A_195 : vector<1x1x16xf32> to vector<16xf32>
      %sub3A_197 = arith.subf %get3A_190, %get3A_196 : vector<16xf32>
      %mul3A_198 = arith.mulf %sub3A_197, %sub3A_197 : vector<16xf32>
      %add3A_199 = arith.addf %scan3A_143, %mul3A_198 : vector<16xf32>
      %mul3A_200 = arith.constant 2 : i32
      %mul3A_201 = arith.muli %mul3A_200, %scan3A_139 : i32
      %add3A_202 = arith.constant 1 : i32
      %add3A_203 = arith.addi %mul3A_201, %add3A_202 : i32
      %get3A_204 = arith.index_cast %add3A_145 : i32 to index
      %get3A_205 = arith.constant 64 : index
      %get3A_206 = tpu.vector_load %arg8[%get3A_204, %get3A_205] {strides = array<i32>} : memref<256x128xf32, #tpu.memory_space<vmem>>, vector<1x16xf32>,
      %get3A_207 = vector.shape_cast %get3A_206 : vector<1x16xf32> to vector<16xf32>
      %get3A_208 = arith.constant 1 : i32
      %get3A_209 = arith.index_cast %get3A_208 : i32 to index
      %get3A_210 = arith.index_cast %add3A_203 : i32 to index
      %get3A_211 = arith.constant 0 : index
      %get3A_212 = tpu.vector_load %arg7[%get3A_209, %get3A_210, %get3A_211] {strides = array<i32>} : memref<2x128x64xf32, #tpu.memory_space<vmem>>, vector<1x1x16xf32>,
      %get3A_213 = vector.shape_cast %get3A_212 : vector<1x1x16xf32> to vector<16xf32>
      %sub3A_214 = arith.subf %get3A_207, %get3A_213 : vector<16xf32>
      %mul3A_215 = arith.mulf %sub3A_214, %sub3A_214 : vector<16xf32>
      %add3A_216 = arith.addf %add3A_160, %mul3A_215 : vector<16xf32>
      %get3A_217 = arith.index_cast %add3A_145 : i32 to index
      %get3A_218 = arith.constant 80 : index
      %get3A_219 = tpu.vector_load %arg8[%get3A_217, %get3A_218] {strides = array<i32>} : memref<256x128xf32, #tpu.memory_space<vmem>>, vector<1x16xf32>,
      %get3A_220 = vector.shape_cast %get3A_219 : vector<1x16xf32> to vector<16xf32>
      %get3A_221 = arith.constant 1 : i32
      %get3A_222 = arith.index_cast %get3A_221 : i32 to index
      %get3A_223 = arith.index_cast %add3A_203 : i32 to index
      %get3A_224 = arith.constant 16 : index
      %get3A_225 = tpu.vector_load %arg7[%get3A_222, %get3A_223, %get3A_224] {strides = array<i32>} : memref<2x128x64xf32, #tpu.memory_space<vmem>>, vector<1x1x16xf32>,
      %get3A_226 = vector.shape_cast %get3A_225 : vector<1x1x16xf32> to vector<16xf32>
      %sub3A_227 = arith.subf %get3A_220, %get3A_226 : vector<16xf32>
      %mul3A_228 = arith.mulf %sub3A_227, %sub3A_227 : vector<16xf32>
      %add3A_229 = arith.addf %add3A_173, %mul3A_228 : vector<16xf32>
      %get3A_230 = arith.index_cast %add3A_145 : i32 to index
      %get3A_231 = arith.constant 96 : index
      %get3A_232 = tpu.vector_load %arg8[%get3A_230, %get3A_231] {strides = array<i32>} : memref<256x128xf32, #tpu.memory_space<vmem>>, vector<1x16xf32>,
      %get3A_233 = vector.shape_cast %get3A_232 : vector<1x16xf32> to vector<16xf32>
      %get3A_234 = arith.constant 1 : i32
      %get3A_235 = arith.index_cast %get3A_234 : i32 to index
      %get3A_236 = arith.index_cast %add3A_203 : i32 to index
      %get3A_237 = arith.constant 32 : index
      %get3A_238 = tpu.vector_load %arg7[%get3A_235, %get3A_236, %get3A_237] {strides = array<i32>} : memref<2x128x64xf32, #tpu.memory_space<vmem>>, vector<1x1x16xf32>,
      %get3A_239 = vector.shape_cast %get3A_238 : vector<1x1x16xf32> to vector<16xf32>
      %sub3A_240 = arith.subf %get3A_233, %get3A_239 : vector<16xf32>
      %mul3A_241 = arith.mulf %sub3A_240, %sub3A_240 : vector<16xf32>
      %add3A_242 = arith.addf %add3A_186, %mul3A_241 : vector<16xf32>
      %get3A_243 = arith.index_cast %add3A_145 : i32 to index
      %get3A_244 = arith.constant 112 : index
      %get3A_245 = tpu.vector_load %arg8[%get3A_243, %get3A_244] {strides = array<i32>} : memref<256x128xf32, #tpu.memory_space<vmem>>, vector<1x16xf32>,
      %get3A_246 = vector.shape_cast %get3A_245 : vector<1x16xf32> to vector<16xf32>
      %get3A_247 = arith.constant 1 : i32
      %get3A_248 = arith.index_cast %get3A_247 : i32 to index
      %get3A_249 = arith.index_cast %add3A_203 : i32 to index
      %get3A_250 = arith.constant 48 : index
      %get3A_251 = tpu.vector_load %arg7[%get3A_248, %get3A_249, %get3A_250] {strides = array<i32>} : memref<2x128x64xf32, #tpu.memory_space<vmem>>, vector<1x1x16xf32>,
      %get3A_252 = vector.shape_cast %get3A_251 : vector<1x1x16xf32> to vector<16xf32>
      %sub3A_253 = arith.subf %get3A_246, %get3A_252 : vector<16xf32>
      %mul3A_254 = arith.mulf %sub3A_253, %sub3A_253 : vector<16xf32>
      %add3A_255 = arith.addf %add3A_199, %mul3A_254 : vector<16xf32>
      scf.yield %add3A_216, %add3A_229, %add3A_242, %add3A_255 : vector<16xf32>, vector<16xf32>, vector<16xf32>, vector<16xf32>
    }
    %scan3A_82 = arith.constant 64 : i32
    %dma_start3A_83 = arith.constant 3 : i32
    %dma_start3A_84 = arith.constant 1 : i32
    %dma_start3A_85 = arith.constant 0 : i32
    %dma_start3A_86 = arith.constant 0 : i32
    %dma_start3A_87 = tpu.memref_slice %arg7[%dma_start3A_84, %dma_start3A_85, %dma_start3A_86] : memref<2x128x64xf32, #tpu.memory_space<vmem>> -> memref<1x128x64xf32, #tpu.memory_space<vmem>>
    %dma_start3A_88 = tpu.memref_squeeze %dma_start3A_87 : memref<1x128x64xf32, #tpu.memory_space<vmem>> -> memref<128x64xf32, #tpu.memory_space<vmem>>
    %dma_start3A_89 = arith.constant 0 : i32
    %dma_start3A_90 = tpu.memref_slice %arg6[%dma_start3A_83, %dma_start3A_89] : memref<4x128xi32, #tpu.memory_space<vmem>> -> memref<1x128xi32, #tpu.memory_space<vmem>>
    %dma_start3A_91 = tpu.memref_squeeze %dma_start3A_90 : memref<1x128xi32, #tpu.memory_space<vmem>> -> memref<128xi32, #tpu.memory_space<vmem>>
    %dma_start3A_92 = arith.constant 0 : i32
    %dma_start3A_93 = arith.constant 0 : i32
    %dma_start3A_94 = tpu.memref_slice %arg2[%dma_start3A_92, %dma_start3A_93] : memref<1000000x64xf32, #tpu.memory_space<hbm>> -> memref<1000000x64xf32, #tpu.memory_space<hbm>>
    tpu.enqueue_indirect_dma source(%dma_start3A_94 : memref<1000000x64xf32, #tpu.memory_space<hbm>>) target(%dma_start3A_88 : memref<128x64xf32, #tpu.memory_space<vmem>>) offsets(%dma_start3A_91 : memref<128xi32, #tpu.memory_space<vmem>>) semaphore(%arg11 : memref<!tpu.dma_semaphore, #tpu.memory_space<semaphore_mem>>)
    %dma_wait3A_95 = arith.constant 2 : i32
    %dma_wait3A_96 = arith.constant 0 : i32
    %dma_wait3A_97 = arith.constant 0 : i32
    %dma_wait3A_98 = arith.constant 0 : i32
    %dma_wait3A_99 = tpu.memref_slice %arg7[%dma_wait3A_96, %dma_wait3A_97, %dma_wait3A_98] : memref<2x128x64xf32, #tpu.memory_space<vmem>> -> memref<1x128x64xf32, #tpu.memory_space<vmem>>
    %dma_wait3A_100 = tpu.memref_squeeze %dma_wait3A_99 : memref<1x128x64xf32, #tpu.memory_space<vmem>> -> memref<128x64xf32, #tpu.memory_space<vmem>>
    %dma_wait3A_101 = arith.constant 0 : i32
    %dma_wait3A_102 = tpu.memref_slice %arg6[%dma_wait3A_95, %dma_wait3A_101] : memref<4x128xi32, #tpu.memory_space<vmem>> -> memref<1x128xi32, #tpu.memory_space<vmem>>
    %dma_wait3A_103 = tpu.memref_squeeze %dma_wait3A_102 : memref<1x128xi32, #tpu.memory_space<vmem>> -> memref<128xi32, #tpu.memory_space<vmem>>
    %dma_wait3A_104 = arith.constant 0 : i32
    %dma_wait3A_105 = arith.constant 0 : i32
    %dma_wait3A_106 = tpu.memref_slice %arg2[%dma_wait3A_104, %dma_wait3A_105] : memref<1000000x64xf32, #tpu.memory_space<hbm>> -> memref<1000000x64xf32, #tpu.memory_space<hbm>>
    tpu.wait_indirect_dma semaphore(%arg10 : memref<!tpu.dma_semaphore, #tpu.memory_space<semaphore_mem>>) src(%dma_wait3A_106 : memref<1000000x64xf32, #tpu.memory_space<hbm>>) dst(%dma_wait3A_100 : memref<128x64xf32, #tpu.memory_space<vmem>>)
    %scan3A_107 = arith.constant 0 : i32
    %scan3A_108 = arith.constant 64 : i32
    %scan3A_109 = arith.addi %scan3A_107, %scan3A_108 : i32
    %scan3A_110 = arith.constant 1 : i32
    %scan3A_111:4 = scf.for %scan3A_139 = %scan3A_107 to %scan3A_109 step %scan3A_110 iter_args(%scan3A_140 = %scan3A_81#0, %scan3A_141 = %scan3A_81#1, %scan3A_142 = %scan3A_81#2, %scan3A_143 = %scan3A_81#3) -> (vector<16xf32>, vector<16xf32>, vector<16xf32>, vector<16xf32>)  : i32 {
      %add3A_144 = arith.constant 128 : i32
      %add3A_145 = arith.addi %add3A_144, %scan3A_139 : i32
      %mul3A_146 = arith.constant 2 : i32
      %mul3A_147 = arith.muli %mul3A_146, %scan3A_139 : i32
      %add3A_148 = arith.constant 0 : i32
      %add3A_149 = arith.addi %mul3A_147, %add3A_148 : i32
      %get3A = arith.index_cast %add3A_145 : i32 to index
      %get3A_150 = arith.constant 0 : index
      %get3A_151 = tpu.vector_load %arg8[%get3A, %get3A_150] {strides = array<i32>} : memref<256x128xf32, #tpu.memory_space<vmem>>, vector<1x16xf32>,
      %get3A_152 = vector.shape_cast %get3A_151 : vector<1x16xf32> to vector<16xf32>
      %get3A_153 = arith.constant 0 : i32
      %get3A_154 = arith.index_cast %get3A_153 : i32 to index
      %get3A_155 = arith.index_cast %add3A_149 : i32 to index
      %get3A_156 = arith.constant 0 : index
      %get3A_157 = tpu.vector_load %arg7[%get3A_154, %get3A_155, %get3A_156] {strides = array<i32>} : memref<2x128x64xf32, #tpu.memory_space<vmem>>, vector<1x1x16xf32>,
      %get3A_158 = vector.shape_cast %get3A_157 : vector<1x1x16xf32> to vector<16xf32>
      %sub3A = arith.subf %get3A_152, %get3A_158 : vector<16xf32>
      %mul3A_159 = arith.mulf %sub3A, %sub3A : vector<16xf32>
      %add3A_160 = arith.addf %scan3A_140, %mul3A_159 : vector<16xf32>
      %get3A_161 = arith.index_cast %add3A_145 : i32 to index
      %get3A_162 = arith.constant 16 : index
      %get3A_163 = tpu.vector_load %arg8[%get3A_161, %get3A_162] {strides = array<i32>} : memref<256x128xf32, #tpu.memory_space<vmem>>, vector<1x16xf32>,
      %get3A_164 = vector.shape_cast %get3A_163 : vector<1x16xf32> to vector<16xf32>
      %get3A_165 = arith.constant 0 : i32
      %get3A_166 = arith.index_cast %get3A_165 : i32 to index
      %get3A_167 = arith.index_cast %add3A_149 : i32 to index
      %get3A_168 = arith.constant 16 : index
      %get3A_169 = tpu.vector_load %arg7[%get3A_166, %get3A_167, %get3A_168] {strides = array<i32>} : memref<2x128x64xf32, #tpu.memory_space<vmem>>, vector<1x1x16xf32>,
      %get3A_170 = vector.shape_cast %get3A_169 : vector<1x1x16xf32> to vector<16xf32>
      %sub3A_171 = arith.subf %get3A_164, %get3A_170 : vector<16xf32>
      %mul3A_172 = arith.mulf %sub3A_171, %sub3A_171 : vector<16xf32>
      %add3A_173 = arith.addf %scan3A_141, %mul3A_172 : vector<16xf32>
      %get3A_174 = arith.index_cast %add3A_145 : i32 to index
      %get3A_175 = arith.constant 32 : index
      %get3A_176 = tpu.vector_load %arg8[%get3A_174, %get3A_175] {strides = array<i32>} : memref<256x128xf32, #tpu.memory_space<vmem>>, vector<1x16xf32>,
      %get3A_177 = vector.shape_cast %get3A_176 : vector<1x16xf32> to vector<16xf32>
      %get3A_178 = arith.constant 0 : i32
      %get3A_179 = arith.index_cast %get3A_178 : i32 to index
      %get3A_180 = arith.index_cast %add3A_149 : i32 to index
      %get3A_181 = arith.constant 32 : index
      %get3A_182 = tpu.vector_load %arg7[%get3A_179, %get3A_180, %get3A_181] {strides = array<i32>} : memref<2x128x64xf32, #tpu.memory_space<vmem>>, vector<1x1x16xf32>,
      %get3A_183 = vector.shape_cast %get3A_182 : vector<1x1x16xf32> to vector<16xf32>
      %sub3A_184 = arith.subf %get3A_177, %get3A_183 : vector<16xf32>
      %mul3A_185 = arith.mulf %sub3A_184, %sub3A_184 : vector<16xf32>
      %add3A_186 = arith.addf %scan3A_142, %mul3A_185 : vector<16xf32>
      %get3A_187 = arith.index_cast %add3A_145 : i32 to index
      %get3A_188 = arith.constant 48 : index
      %get3A_189 = tpu.vector_load %arg8[%get3A_187, %get3A_188] {strides = array<i32>} : memref<256x128xf32, #tpu.memory_space<vmem>>, vector<1x16xf32>,
      %get3A_190 = vector.shape_cast %get3A_189 : vector<1x16xf32> to vector<16xf32>
      %get3A_191 = arith.constant 0 : i32
      %get3A_192 = arith.index_cast %get3A_191 : i32 to index
      %get3A_193 = arith.index_cast %add3A_149 : i32 to index
      %get3A_194 = arith.constant 48 : index
      %get3A_195 = tpu.vector_load %arg7[%get3A_192, %get3A_193, %get3A_194] {strides = array<i32>} : memref<2x128x64xf32, #tpu.memory_space<vmem>>, vector<1x1x16xf32>,
      %get3A_196 = vector.shape_cast %get3A_195 : vector<1x1x16xf32> to vector<16xf32>
      %sub3A_197 = arith.subf %get3A_190, %get3A_196 : vector<16xf32>
      %mul3A_198 = arith.mulf %sub3A_197, %sub3A_197 : vector<16xf32>
      %add3A_199 = arith.addf %scan3A_143, %mul3A_198 : vector<16xf32>
      %mul3A_200 = arith.constant 2 : i32
      %mul3A_201 = arith.muli %mul3A_200, %scan3A_139 : i32
      %add3A_202 = arith.constant 1 : i32
      %add3A_203 = arith.addi %mul3A_201, %add3A_202 : i32
      %get3A_204 = arith.index_cast %add3A_145 : i32 to index
      %get3A_205 = arith.constant 64 : index
      %get3A_206 = tpu.vector_load %arg8[%get3A_204, %get3A_205] {strides = array<i32>} : memref<256x128xf32, #tpu.memory_space<vmem>>, vector<1x16xf32>,
      %get3A_207 = vector.shape_cast %get3A_206 : vector<1x16xf32> to vector<16xf32>
      %get3A_208 = arith.constant 0 : i32
      %get3A_209 = arith.index_cast %get3A_208 : i32 to index
      %get3A_210 = arith.index_cast %add3A_203 : i32 to index
      %get3A_211 = arith.constant 0 : index
      %get3A_212 = tpu.vector_load %arg7[%get3A_209, %get3A_210, %get3A_211] {strides = array<i32>} : memref<2x128x64xf32, #tpu.memory_space<vmem>>, vector<1x1x16xf32>,
      %get3A_213 = vector.shape_cast %get3A_212 : vector<1x1x16xf32> to vector<16xf32>
      %sub3A_214 = arith.subf %get3A_207, %get3A_213 : vector<16xf32>
      %mul3A_215 = arith.mulf %sub3A_214, %sub3A_214 : vector<16xf32>
      %add3A_216 = arith.addf %add3A_160, %mul3A_215 : vector<16xf32>
      %get3A_217 = arith.index_cast %add3A_145 : i32 to index
      %get3A_218 = arith.constant 80 : index
      %get3A_219 = tpu.vector_load %arg8[%get3A_217, %get3A_218] {strides = array<i32>} : memref<256x128xf32, #tpu.memory_space<vmem>>, vector<1x16xf32>,
      %get3A_220 = vector.shape_cast %get3A_219 : vector<1x16xf32> to vector<16xf32>
      %get3A_221 = arith.constant 0 : i32
      %get3A_222 = arith.index_cast %get3A_221 : i32 to index
      %get3A_223 = arith.index_cast %add3A_203 : i32 to index
      %get3A_224 = arith.constant 16 : index
      %get3A_225 = tpu.vector_load %arg7[%get3A_222, %get3A_223, %get3A_224] {strides = array<i32>} : memref<2x128x64xf32, #tpu.memory_space<vmem>>, vector<1x1x16xf32>,
      %get3A_226 = vector.shape_cast %get3A_225 : vector<1x1x16xf32> to vector<16xf32>
      %sub3A_227 = arith.subf %get3A_220, %get3A_226 : vector<16xf32>
      %mul3A_228 = arith.mulf %sub3A_227, %sub3A_227 : vector<16xf32>
      %add3A_229 = arith.addf %add3A_173, %mul3A_228 : vector<16xf32>
      %get3A_230 = arith.index_cast %add3A_145 : i32 to index
      %get3A_231 = arith.constant 96 : index
      %get3A_232 = tpu.vector_load %arg8[%get3A_230, %get3A_231] {strides = array<i32>} : memref<256x128xf32, #tpu.memory_space<vmem>>, vector<1x16xf32>,
      %get3A_233 = vector.shape_cast %get3A_232 : vector<1x16xf32> to vector<16xf32>
      %get3A_234 = arith.constant 0 : i32
      %get3A_235 = arith.index_cast %get3A_234 : i32 to index
      %get3A_236 = arith.index_cast %add3A_203 : i32 to index
      %get3A_237 = arith.constant 32 : index
      %get3A_238 = tpu.vector_load %arg7[%get3A_235, %get3A_236, %get3A_237] {strides = array<i32>} : memref<2x128x64xf32, #tpu.memory_space<vmem>>, vector<1x1x16xf32>,
      %get3A_239 = vector.shape_cast %get3A_238 : vector<1x1x16xf32> to vector<16xf32>
      %sub3A_240 = arith.subf %get3A_233, %get3A_239 : vector<16xf32>
      %mul3A_241 = arith.mulf %sub3A_240, %sub3A_240 : vector<16xf32>
      %add3A_242 = arith.addf %add3A_186, %mul3A_241 : vector<16xf32>
      %get3A_243 = arith.index_cast %add3A_145 : i32 to index
      %get3A_244 = arith.constant 112 : index
      %get3A_245 = tpu.vector_load %arg8[%get3A_243, %get3A_244] {strides = array<i32>} : memref<256x128xf32, #tpu.memory_space<vmem>>, vector<1x16xf32>,
      %get3A_246 = vector.shape_cast %get3A_245 : vector<1x16xf32> to vector<16xf32>
      %get3A_247 = arith.constant 0 : i32
      %get3A_248 = arith.index_cast %get3A_247 : i32 to index
      %get3A_249 = arith.index_cast %add3A_203 : i32 to index
      %get3A_250 = arith.constant 48 : index
      %get3A_251 = tpu.vector_load %arg7[%get3A_248, %get3A_249, %get3A_250] {strides = array<i32>} : memref<2x128x64xf32, #tpu.memory_space<vmem>>, vector<1x1x16xf32>,
      %get3A_252 = vector.shape_cast %get3A_251 : vector<1x1x16xf32> to vector<16xf32>
      %sub3A_253 = arith.subf %get3A_246, %get3A_252 : vector<16xf32>
      %mul3A_254 = arith.mulf %sub3A_253, %sub3A_253 : vector<16xf32>
      %add3A_255 = arith.addf %add3A_199, %mul3A_254 : vector<16xf32>
      scf.yield %add3A_216, %add3A_229, %add3A_242, %add3A_255 : vector<16xf32>, vector<16xf32>, vector<16xf32>, vector<16xf32>
    }
    %scan3A_112 = arith.constant 64 : i32
    %dma_wait3A_113 = arith.constant 3 : i32
    %dma_wait3A_114 = arith.constant 1 : i32
    %dma_wait3A_115 = arith.constant 0 : i32
    %dma_wait3A_116 = arith.constant 0 : i32
    %dma_wait3A_117 = tpu.memref_slice %arg7[%dma_wait3A_114, %dma_wait3A_115, %dma_wait3A_116] : memref<2x128x64xf32, #tpu.memory_space<vmem>> -> memref<1x128x64xf32, #tpu.memory_space<vmem>>
    %dma_wait3A_118 = tpu.memref_squeeze %dma_wait3A_117 : memref<1x128x64xf32, #tpu.memory_space<vmem>> -> memref<128x64xf32, #tpu.memory_space<vmem>>
    %dma_wait3A_119 = arith.constant 0 : i32
    %dma_wait3A_120 = tpu.memref_slice %arg6[%dma_wait3A_113, %dma_wait3A_119] : memref<4x128xi32, #tpu.memory_space<vmem>> -> memref<1x128xi32, #tpu.memory_space<vmem>>
    %dma_wait3A_121 = tpu.memref_squeeze %dma_wait3A_120 : memref<1x128xi32, #tpu.memory_space<vmem>> -> memref<128xi32, #tpu.memory_space<vmem>>
    %dma_wait3A_122 = arith.constant 0 : i32
    %dma_wait3A_123 = arith.constant 0 : i32
    %dma_wait3A_124 = tpu.memref_slice %arg2[%dma_wait3A_122, %dma_wait3A_123] : memref<1000000x64xf32, #tpu.memory_space<hbm>> -> memref<1000000x64xf32, #tpu.memory_space<hbm>>
    tpu.wait_indirect_dma semaphore(%arg11 : memref<!tpu.dma_semaphore, #tpu.memory_space<semaphore_mem>>) src(%dma_wait3A_124 : memref<1000000x64xf32, #tpu.memory_space<hbm>>) dst(%dma_wait3A_118 : memref<128x64xf32, #tpu.memory_space<vmem>>)
    %scan3A_125 = arith.constant 0 : i32
    %scan3A_126 = arith.constant 64 : i32
    %scan3A_127 = arith.addi %scan3A_125, %scan3A_126 : i32
    %scan3A_128 = arith.constant 1 : i32
    %scan3A_129:4 = scf.for %scan3A_139 = %scan3A_125 to %scan3A_127 step %scan3A_128 iter_args(%scan3A_140 = %scan3A_111#0, %scan3A_141 = %scan3A_111#1, %scan3A_142 = %scan3A_111#2, %scan3A_143 = %scan3A_111#3) -> (vector<16xf32>, vector<16xf32>, vector<16xf32>, vector<16xf32>)  : i32 {
      %add3A_144 = arith.constant 192 : i32
      %add3A_145 = arith.addi %add3A_144, %scan3A_139 : i32
      %mul3A_146 = arith.constant 2 : i32
      %mul3A_147 = arith.muli %mul3A_146, %scan3A_139 : i32
      %add3A_148 = arith.constant 0 : i32
      %add3A_149 = arith.addi %mul3A_147, %add3A_148 : i32
      %get3A = arith.index_cast %add3A_145 : i32 to index
      %get3A_150 = arith.constant 0 : index
      %get3A_151 = tpu.vector_load %arg8[%get3A, %get3A_150] {strides = array<i32>} : memref<256x128xf32, #tpu.memory_space<vmem>>, vector<1x16xf32>,
      %get3A_152 = vector.shape_cast %get3A_151 : vector<1x16xf32> to vector<16xf32>
      %get3A_153 = arith.constant 1 : i32
      %get3A_154 = arith.index_cast %get3A_153 : i32 to index
      %get3A_155 = arith.index_cast %add3A_149 : i32 to index
      %get3A_156 = arith.constant 0 : index
      %get3A_157 = tpu.vector_load %arg7[%get3A_154, %get3A_155, %get3A_156] {strides = array<i32>} : memref<2x128x64xf32, #tpu.memory_space<vmem>>, vector<1x1x16xf32>,
      %get3A_158 = vector.shape_cast %get3A_157 : vector<1x1x16xf32> to vector<16xf32>
      %sub3A = arith.subf %get3A_152, %get3A_158 : vector<16xf32>
      %mul3A_159 = arith.mulf %sub3A, %sub3A : vector<16xf32>
      %add3A_160 = arith.addf %scan3A_140, %mul3A_159 : vector<16xf32>
      %get3A_161 = arith.index_cast %add3A_145 : i32 to index
      %get3A_162 = arith.constant 16 : index
      %get3A_163 = tpu.vector_load %arg8[%get3A_161, %get3A_162] {strides = array<i32>} : memref<256x128xf32, #tpu.memory_space<vmem>>, vector<1x16xf32>,
      %get3A_164 = vector.shape_cast %get3A_163 : vector<1x16xf32> to vector<16xf32>
      %get3A_165 = arith.constant 1 : i32
      %get3A_166 = arith.index_cast %get3A_165 : i32 to index
      %get3A_167 = arith.index_cast %add3A_149 : i32 to index
      %get3A_168 = arith.constant 16 : index
      %get3A_169 = tpu.vector_load %arg7[%get3A_166, %get3A_167, %get3A_168] {strides = array<i32>} : memref<2x128x64xf32, #tpu.memory_space<vmem>>, vector<1x1x16xf32>,
      %get3A_170 = vector.shape_cast %get3A_169 : vector<1x1x16xf32> to vector<16xf32>
      %sub3A_171 = arith.subf %get3A_164, %get3A_170 : vector<16xf32>
      %mul3A_172 = arith.mulf %sub3A_171, %sub3A_171 : vector<16xf32>
      %add3A_173 = arith.addf %scan3A_141, %mul3A_172 : vector<16xf32>
      %get3A_174 = arith.index_cast %add3A_145 : i32 to index
      %get3A_175 = arith.constant 32 : index
      %get3A_176 = tpu.vector_load %arg8[%get3A_174, %get3A_175] {strides = array<i32>} : memref<256x128xf32, #tpu.memory_space<vmem>>, vector<1x16xf32>,
      %get3A_177 = vector.shape_cast %get3A_176 : vector<1x16xf32> to vector<16xf32>
      %get3A_178 = arith.constant 1 : i32
      %get3A_179 = arith.index_cast %get3A_178 : i32 to index
      %get3A_180 = arith.index_cast %add3A_149 : i32 to index
      %get3A_181 = arith.constant 32 : index
      %get3A_182 = tpu.vector_load %arg7[%get3A_179, %get3A_180, %get3A_181] {strides = array<i32>} : memref<2x128x64xf32, #tpu.memory_space<vmem>>, vector<1x1x16xf32>,
      %get3A_183 = vector.shape_cast %get3A_182 : vector<1x1x16xf32> to vector<16xf32>
      %sub3A_184 = arith.subf %get3A_177, %get3A_183 : vector<16xf32>
      %mul3A_185 = arith.mulf %sub3A_184, %sub3A_184 : vector<16xf32>
      %add3A_186 = arith.addf %scan3A_142, %mul3A_185 : vector<16xf32>
      %get3A_187 = arith.index_cast %add3A_145 : i32 to index
      %get3A_188 = arith.constant 48 : index
      %get3A_189 = tpu.vector_load %arg8[%get3A_187, %get3A_188] {strides = array<i32>} : memref<256x128xf32, #tpu.memory_space<vmem>>, vector<1x16xf32>,
      %get3A_190 = vector.shape_cast %get3A_189 : vector<1x16xf32> to vector<16xf32>
      %get3A_191 = arith.constant 1 : i32
      %get3A_192 = arith.index_cast %get3A_191 : i32 to index
      %get3A_193 = arith.index_cast %add3A_149 : i32 to index
      %get3A_194 = arith.constant 48 : index
      %get3A_195 = tpu.vector_load %arg7[%get3A_192, %get3A_193, %get3A_194] {strides = array<i32>} : memref<2x128x64xf32, #tpu.memory_space<vmem>>, vector<1x1x16xf32>,
      %get3A_196 = vector.shape_cast %get3A_195 : vector<1x1x16xf32> to vector<16xf32>
      %sub3A_197 = arith.subf %get3A_190, %get3A_196 : vector<16xf32>
      %mul3A_198 = arith.mulf %sub3A_197, %sub3A_197 : vector<16xf32>
      %add3A_199 = arith.addf %scan3A_143, %mul3A_198 : vector<16xf32>
      %mul3A_200 = arith.constant 2 : i32
      %mul3A_201 = arith.muli %mul3A_200, %scan3A_139 : i32
      %add3A_202 = arith.constant 1 : i32
      %add3A_203 = arith.addi %mul3A_201, %add3A_202 : i32
      %get3A_204 = arith.index_cast %add3A_145 : i32 to index
      %get3A_205 = arith.constant 64 : index
      %get3A_206 = tpu.vector_load %arg8[%get3A_204, %get3A_205] {strides = array<i32>} : memref<256x128xf32, #tpu.memory_space<vmem>>, vector<1x16xf32>,
      %get3A_207 = vector.shape_cast %get3A_206 : vector<1x16xf32> to vector<16xf32>
      %get3A_208 = arith.constant 1 : i32
      %get3A_209 = arith.index_cast %get3A_208 : i32 to index
      %get3A_210 = arith.index_cast %add3A_203 : i32 to index
      %get3A_211 = arith.constant 0 : index
      %get3A_212 = tpu.vector_load %arg7[%get3A_209, %get3A_210, %get3A_211] {strides = array<i32>} : memref<2x128x64xf32, #tpu.memory_space<vmem>>, vector<1x1x16xf32>,
      %get3A_213 = vector.shape_cast %get3A_212 : vector<1x1x16xf32> to vector<16xf32>
      %sub3A_214 = arith.subf %get3A_207, %get3A_213 : vector<16xf32>
      %mul3A_215 = arith.mulf %sub3A_214, %sub3A_214 : vector<16xf32>
      %add3A_216 = arith.addf %add3A_160, %mul3A_215 : vector<16xf32>
      %get3A_217 = arith.index_cast %add3A_145 : i32 to index
      %get3A_218 = arith.constant 80 : index
      %get3A_219 = tpu.vector_load %arg8[%get3A_217, %get3A_218] {strides = array<i32>} : memref<256x128xf32, #tpu.memory_space<vmem>>, vector<1x16xf32>,
      %get3A_220 = vector.shape_cast %get3A_219 : vector<1x16xf32> to vector<16xf32>
      %get3A_221 = arith.constant 1 : i32
      %get3A_222 = arith.index_cast %get3A_221 : i32 to index
      %get3A_223 = arith.index_cast %add3A_203 : i32 to index
      %get3A_224 = arith.constant 16 : index
      %get3A_225 = tpu.vector_load %arg7[%get3A_222, %get3A_223, %get3A_224] {strides = array<i32>} : memref<2x128x64xf32, #tpu.memory_space<vmem>>, vector<1x1x16xf32>,
      %get3A_226 = vector.shape_cast %get3A_225 : vector<1x1x16xf32> to vector<16xf32>
      %sub3A_227 = arith.subf %get3A_220, %get3A_226 : vector<16xf32>
      %mul3A_228 = arith.mulf %sub3A_227, %sub3A_227 : vector<16xf32>
      %add3A_229 = arith.addf %add3A_173, %mul3A_228 : vector<16xf32>
      %get3A_230 = arith.index_cast %add3A_145 : i32 to index
      %get3A_231 = arith.constant 96 : index
      %get3A_232 = tpu.vector_load %arg8[%get3A_230, %get3A_231] {strides = array<i32>} : memref<256x128xf32, #tpu.memory_space<vmem>>, vector<1x16xf32>,
      %get3A_233 = vector.shape_cast %get3A_232 : vector<1x16xf32> to vector<16xf32>
      %get3A_234 = arith.constant 1 : i32
      %get3A_235 = arith.index_cast %get3A_234 : i32 to index
      %get3A_236 = arith.index_cast %add3A_203 : i32 to index
      %get3A_237 = arith.constant 32 : index
      %get3A_238 = tpu.vector_load %arg7[%get3A_235, %get3A_236, %get3A_237] {strides = array<i32>} : memref<2x128x64xf32, #tpu.memory_space<vmem>>, vector<1x1x16xf32>,
      %get3A_239 = vector.shape_cast %get3A_238 : vector<1x1x16xf32> to vector<16xf32>
      %sub3A_240 = arith.subf %get3A_233, %get3A_239 : vector<16xf32>
      %mul3A_241 = arith.mulf %sub3A_240, %sub3A_240 : vector<16xf32>
      %add3A_242 = arith.addf %add3A_186, %mul3A_241 : vector<16xf32>
      %get3A_243 = arith.index_cast %add3A_145 : i32 to index
      %get3A_244 = arith.constant 112 : index
      %get3A_245 = tpu.vector_load %arg8[%get3A_243, %get3A_244] {strides = array<i32>} : memref<256x128xf32, #tpu.memory_space<vmem>>, vector<1x16xf32>,
      %get3A_246 = vector.shape_cast %get3A_245 : vector<1x16xf32> to vector<16xf32>
      %get3A_247 = arith.constant 1 : i32
      %get3A_248 = arith.index_cast %get3A_247 : i32 to index
      %get3A_249 = arith.index_cast %add3A_203 : i32 to index
      %get3A_250 = arith.constant 48 : index
      %get3A_251 = tpu.vector_load %arg7[%get3A_248, %get3A_249, %get3A_250] {strides = array<i32>} : memref<2x128x64xf32, #tpu.memory_space<vmem>>, vector<1x1x16xf32>,
      %get3A_252 = vector.shape_cast %get3A_251 : vector<1x1x16xf32> to vector<16xf32>
      %sub3A_253 = arith.subf %get3A_246, %get3A_252 : vector<16xf32>
      %mul3A_254 = arith.mulf %sub3A_253, %sub3A_253 : vector<16xf32>
      %add3A_255 = arith.addf %add3A_199, %mul3A_254 : vector<16xf32>
      scf.yield %add3A_216, %add3A_229, %add3A_242, %add3A_255 : vector<16xf32>, vector<16xf32>, vector<16xf32>, vector<16xf32>
    }
    %scan3A_130 = arith.constant 64 : i32
    %add3A_131 = arith.addf %scan3A_129#0, %scan3A_129#1 : vector<16xf32>
    %add3A_132 = arith.addf %scan3A_129#2, %scan3A_129#3 : vector<16xf32>
    %add3A_133 = arith.addf %add3A_131, %add3A_132 : vector<16xf32>
    %swap3A = arith.constant 0 : index
    %swap3A_134 = tpu.vector_load %arg9[%swap3A] {strides = array<i32>} : memref<16xf32, #tpu.memory_space<vmem>>, vector<16xf32>,
    %swap3A_135 = vector.shape_cast %swap3A_134 : vector<16xf32> to vector<16xf32>
    %swap3A_136 = vector.shape_cast %add3A_133 : vector<16xf32> to vector<16xf32>
    tpu.vector_store %arg9[%swap3A], %swap3A_136 {strides = array<i32>} : memref<16xf32, #tpu.memory_space<vmem>>, vector<16xf32>,
    %mul3A_137 = arith.constant 16 : i32
    %mul3A_138 = arith.muli %add3A, %mul3A_137 : i32
    "tpu.region"() ({
      %run_scoped3A = tpu.sem_alloc : memref<!tpu.dma_semaphore, #tpu.memory_space<semaphore_mem>>
      %dma_start3A_139 = tpu.memref_slice %arg5[%mul3A_138] : memref<512xf32, #tpu.memory_space<hbm>> -> memref<16xf32, #tpu.memory_space<hbm>>
      %dma_start3A_140 = tpu.memref_slice %arg5[%mul3A_138] : memref<512xf32, #tpu.memory_space<hbm>> -> memref<16xf32, #tpu.memory_space<hbm>>
      tpu.enqueue_dma source(%arg9 : memref<16xf32, #tpu.memory_space<vmem>>) target(%dma_start3A_140 : memref<16xf32, #tpu.memory_space<hbm>>) target_semaphore(%run_scoped3A : memref<!tpu.dma_semaphore, #tpu.memory_space<semaphore_mem>>)
      %dma_wait3A_141 = tpu.memref_slice %arg5[%mul3A_138] : memref<512xf32, #tpu.memory_space<hbm>> -> memref<16xf32, #tpu.memory_space<hbm>>
      %dma_wait3A_142 = tpu.memref_slice %arg5[%mul3A_138] : memref<512xf32, #tpu.memory_space<hbm>> -> memref<16xf32, #tpu.memory_space<hbm>>
      tpu.wait_dma2 semaphore(%run_scoped3A : memref<!tpu.dma_semaphore, #tpu.memory_space<semaphore_mem>>) src(%arg9 : memref<16xf32, #tpu.memory_space<vmem>>) dst(%dma_wait3A_142 : memref<16xf32, #tpu.memory_space<hbm>>)
      tpu.yield
    }) : () -> ()
    return
  }
}

</mosaic_0001>

<sc_bundles>
// kernel: kernel.3.cloned.1.call-start
scs
__scs_entry_jumppad:
0x0: {  	(pc) =	sbr.rel $0x88, $3  }
0x1: {  	(tag) =	ssettag $0x0;
	lr =	simm.s32 $0x1  }
0x2: {  	[smem:$0x3F9E] =	sst lr;
	_ =	strace $0xD0000000  }
0x3: {  	_ = 	snop  }
0x4: {  	_ = 	snop  }
0x5: {  	_ = 	snop  }
0x6: {  	_ = 	snop  }
0x7: {  	_ = 	snop  }
__scs_overlays_trampoline_lowered:
0x8: {  	[smem:$0x3FAD] =	sst s0  }
0x9: {  	[smem:$0x3FAE] =	sst s1  }
0xa: {  	[smem:$0x3FAF] =	sst s2  }
0xb: {  	[smem:$0x3FB0] =	sst s3  }
0xc: {  	[smem:$0x3FB1] =	sst s4  }
0xd: {  	[smem:$0x3FB2] =	sst s5  }
0xe: {  	[smem:$0x3FB3] =	sst s6  }
0xf: {  	[smem:$0x3FB4] =	sst s7  }
0x10: {  	[smem:$0x3FB5] =	sst s8  }
0x11: {  	[smem:$0x3FB6] =	sst s9;
	s0 =	simm.s32 @!p0 $0x0  }
0x12: {  	s1 =	sld [smem:$0x3F9C];
	s0 =	simm.s32 @p0 $0x1  }
0x13: {  	[smem:$0x3FB7] =	sst s0;
	s0 =	simm.s32 @!p1 $0x0  }
0x14: {  	s2 =	sld [smem:$0x3F9B];
	s0 =	simm.s32 @p1 $0x1  }
0x15: {  	[smem:$0x3FB8] =	sst s0;
	s0 =	simm.s32 @!p2 $0x0  }
0x16: {  	s3 =	sld [smem:$0x3FDB];
	s0 =	simm.s32 @p2 $0x1  }
0x17: {  	s4 =	simm.s32 $0x1BF5;
	[smem:$0x3FBA] =	sst s0  }
0x18: {  	s0 =	sld [smem:$0x3F9D];
	_ =	swait.ge [sflag:s4], $0x0  }
0x19: {  	s7 =	sld [smem:$0x3F9E]  }
0x1a: {  	s8 =	sadd.s32 $0xFFFFE003, lr  }
0x1b: {  	s9 =	sadd.s32 $0xFFFFFEF7, lr;
	s5 =	simm.s32 $0xFFFFFFFF;
	p2 =	slt.u32 s8, $0xFFFFF086  }
0x1c: {  	p1 =	slt.u32 s9, $0xF7A;
	s5 =	simm.s32 @!p2 $0x0  }
0x1d: {  	s5 =	simm.s32 @p1 $0x1;
	p0 =	seq.s32 s7, s2  }
0x1e: {  	s7 =	smul.u32 @!p0 $0xF7A, s2;
	p2 =	seq.s32 @!p0 s5, $0x0  }
0x1f: {  	s9 =	smul.u32 $0xF7A, s1;
	s8 =	simm.s32 @!p0 $0x1BF5;
	p2 =	por !p2, p0  }
0x20: {  	[sflag:s8] =	ssyncset.s32 @!p0 $0xFFFFF086;
	s6 =	sadd.s32 @!p0 s3, s7;
	s7 =	simm.s32 @!p0 $0x108  }
0x21: {  	s3 =	sadd.s32 s3, s9;
	s6 =	sadd.s32 @!p0 $0x88, s6;
	s7 =	simm.s32 @p2 $0x1082  }
0x22: {  	[simem:s7], [sflag:s8] =	dma.local @!p0 [hbm:s6], $0xF7A  }
0x23: {  	s9 =	sor.u32 $0xD0000000, s2;
	s6 =	simm.s32 $0x108;
	_ =	swait.ge @!p0 [sflag:s8], $0x0  }
0x24: {  	s3 =	sadd.s32 $0x88, s3;
	s6 =	simm.s32 @!p1 $0x1082;
	[sflag:s4] =	ssyncset.s32 $0xFFFFF086  }
0x25: {  	[simem:s6], [sflag:s4] =	dma.local [hbm:s3], $0xF7A  }
0x26: {  	[smem:$0x3F9E] =	sst s1;
	(tag) =	ssettag s2;
	_ =	strace s9  }
0x27: {  	s1 =	sld [smem:$0x3FAE]  }
0x28: {  	s2 =	sld [smem:$0x3FAF]  }
0x29: {  	s4 =	sld [smem:$0x3FB1]  }
0x2a: {  	p0 =	seq.s32 s5, $0x0;
	s5 =	sld [smem:$0x3FB2]  }
0x2b: {  	s6 =	sld [smem:$0x3FB3]  }
0x2c: {  	s7 =	sld [smem:$0x3FB4]  }
0x2d: {  	s3 =	simm.s32 $0x108;
	s8 =	sld [smem:$0x3FB5]  }
0x2e: {  	s3 =	simm.s32 @!p0 $0x1082;
	s9 =	sld [smem:$0x3FB6]  }
0x2f: {  	lr =	sadd.s32 s0, s3;
	s0 =	sld [smem:$0x3FAD]  }
0x30: {  	s3 =	sld [smem:$0x3FB0]  }
0x31: {  	[smem:$0x3FB9] =	sst s10  }
0x32: {  	s10 =	sld [smem:$0x3FB7];
	_ =	sdelay $0x3  }
0x33: {  	p0 =	seq.s32 s10, $0x1;
	s10 =	sld [smem:$0x3FB9];
	_ =	sdelay $0x3  }
0x34: {  	[smem:$0x3FB9] =	sst s10  }
0x35: {  	s10 =	sld [smem:$0x3FB8];
	_ =	sdelay $0x3  }
0x36: {  	p1 =	seq.s32 s10, $0x1;
	s10 =	sld [smem:$0x3FB9];
	_ =	sdelay $0x3  }
0x37: {  	[smem:$0x3FB9] =	sst s10  }
0x38: {  	s10 =	sld [smem:$0x3FBA]  }
0x39: {  	_ = 	snop;
	(pc) =	sbr.ind lr, $3  }
0x3a: {  	_ = 	snop  }
0x3b: {  	_ = 	snop  }
0x3c: {  	p2 =	seq.s32 s10, $0x1;
	s10 =	sld [smem:$0x3FB9]  }
0x3d: {  	_ =	shalt  }
0x3e: {  	_ =	shalt  }
0x3f: {  	_ =	shalt  }
0x40: {  	_ =	shalt  }
0x41: {  	_ =	shalt  }
0x42: {  	_ =	shalt  }
0x43: {  	_ =	shalt  }
0x44: {  	_ =	shalt  }
0x45: {  	_ =	shalt  }
0x46: {  	_ =	shalt  }
0x47: {  	_ =	shalt  }
0x48: {  	_ =	shalt  }
0x49: {  	_ =	shalt  }
0x4a: {  	_ =	shalt  }
0x4b: {  	_ =	shalt  }
0x4c: {  	_ =	shalt  }
0x4d: {  	_ =	shalt  }
0x4e: {  	_ =	shalt  }
0x4f: {  	_ =	shalt  }
0x50: {  	_ =	shalt  }
0x51: {  	_ =	shalt  }
0x52: {  	_ =	shalt  }
0x53: {  	_ =	shalt  }
0x54: {  	_ =	shalt  }
0x55: {  	_ =	shalt  }
0x56: {  	_ =	shalt  }
0x57: {  	_ =	shalt  }
0x58: {  	_ =	shalt  }
0x59: {  	_ =	shalt  }
0x5a: {  	_ =	shalt  }
0x5b: {  	_ =	shalt  }
0x5c: {  	_ =	shalt  }
0x5d: {  	_ =	shalt  }
0x5e: {  	_ =	shalt  }
0x5f: {  	_ =	shalt  }
0x60: {  	_ =	shalt  }
0x61: {  	_ =	shalt  }
0x62: {  	_ =	shalt  }
0x63: {  	_ =	shalt  }
0x64: {  	_ =	shalt  }
0x65: {  	_ =	shalt  }
0x66: {  	_ =	shalt  }
0x67: {  	_ =	shalt  }
0x68: {  	_ =	shalt  }
0x69: {  	_ =	shalt  }
0x6a: {  	_ =	shalt  }
0x6b: {  	_ =	shalt  }
0x6c: {  	_ =	shalt  }
0x6d: {  	_ =	shalt  }
0x6e: {  	_ =	shalt  }
0x6f: {  	_ =	shalt  }
0x70: {  	_ =	shalt  }
0x71: {  	_ =	shalt  }
0x72: {  	_ =	shalt  }
0x73: {  	_ =	shalt  }
0x74: {  	_ =	shalt  }
0x75: {  	_ =	shalt  }
0x76: {  	_ =	shalt  }
0x77: {  	_ =	shalt  }
0x78: {  	_ =	shalt  }
0x79: {  	_ =	shalt  }
0x7a: {  	_ =	shalt  }
0x7b: {  	_ =	shalt  }
0x7c: {  	_ =	shalt  }
0x7d: {  	_ =	shalt  }
0x7e: {  	_ =	shalt  }
0x7f: {  	_ =	shalt  }
0x80: {  	_ =	shalt  }
0x81: {  	_ =	shalt  }
0x82: {  	_ =	shalt  }
0x83: {  	_ =	shalt  }
0x84: {  	_ =	shalt  }
0x85: {  	_ =	shalt  }
0x86: {  	_ =	shalt  }
0x87: {  	_ =	shalt  }
.Lfunc_end0:
.L_simem_size_0:
called_computation_lowered:
.L_overlay_start_0:
0x88: {  	s2 =	sld [smem:$0x3FD9]  }
0x89: {  	s3 =	sld [smem:$0x3FFE];
	_ =	sdelay $0x1  }
0x8a: {  	s1 =	srdreg.scid  }
0x8b: {  	s0 =	sand.u32 $0x1, s1  }
0x8c: {  	s17 =	sshll.u32 s0, $0xA;
	s2 =	sadd.s32 s3, s2  }
0x8d: {  	s2 =	sadd.s32 s2, s17  }
0x8e: {  	[smem:$0x3FC5] =	sst s2  }
0x8f: {  	_ = 	snop  }
0x90: {  	s2 =	sld [smem:$0x3FC8];
	(tm) =	ssettm $0x1  }
0x91: {  	s18 =	sld [smem:$0x3FFB];
	_ =	sdelay $0x3  }
0x92: {  	_ =	strace s18  }
0x93: {  	s3 =	sld [smem:$0x3FFC];
	_ =	sdelay $0x3  }
0x94: {  	_ =	strace s3  }
0x95: {  	s3 =	sld [smem:$0x3FFD];
	_ =	sdelay $0x3  }
0x96: {  	_ =	strace s3  }
0x97: {  	_ =	strace $0x8FFFFFFF  }
0x98: {  	s19 =	sld [smem:$0x3FDB];
	_ =	sdelay $0x1  }
0x99: {  	s4 =	simm.s32 $_scs_section_size  }
0x9a: {  	s5 =	simm.s32 $_size__tile_overlayer_lowered;
	s6 =	simm.s32 $_tile_overlayer_lowered  }
0x9b: {  	s22 =	simm.s32 $0x1BFF;
	s21 =	sshll.u32 s6, $0x1;
	s3 =	sadd.s32 s4, s19  }
0x9c: {  	s7 =	simm.s32 $0x0;
	s20 =	sshll.u32 s5, $0x1;
	s5 =	sadd.s32 s21, s3  }
0x9d: {  	[timem:s7], [sflag:s22] =	dma.local [hbm:s5], s20  }
0x9e: {  	_ =	swait.ge [sflag:s22], s20  }
0x9f: {  	s4 =	ssub.s32 $0x0, s20;
	[sflag:s22] =	ssyncset.done $0x0  }
0xa0: {  	[sflag:s22] =	ssyncadd.s32 s4;
	_ =	sdelay $0x1  }
0xa1: {  	s23 =	simm.s32 $0x1B8B  }
0xa2: {  	_ =	swait.ge [sflag:s23], $0x1  }
0xa3: {  	[sflag:s23] =	ssyncset.done $0x0  }
0xa4: {  	s25 =	simm.s32 $0x1B8E;
	s24 =	sld [smem:$0x3FFE];
	[sflag:s23] =	ssyncadd.s32 $0xFFFFFFFF  }
0xa5: {  	s26 =	simm.s32 $execute0_lowered;
	[smem:$0x3FD2] =	sst s25  }
0xa6: {  	s5 =	sshll.u32 s26, $0x1;
	_ =	strace $0x80000046;
	[dreg:$0x1] =	wrdreg $0xFFFFFFFF  }
0xa7: {  	s28 =	simm.s32 $_size_execute0_lowered;
	s3 =	sadd.s32 s3, s5;
	[dreg:$0x0] =	wrdreg $0x0  }
0xa8: {  	s5 =	sshll.u32 s28, $0x1;
	[dreg:$0x2] =	wrdreg s3  }
0xa9: {  	[dreg:$0x3] =	wrdreg s5  }
0xaa: {  	[dreg:$0x4] =	wrdreg $0xC0  }
0xab: {  	_ =	task [dreg:s7], $0x5FFFF  }
0xac: {  	[dreg:$0x1] =	wrdreg $0xFFFFFFFF  }
0xad: {  	[dreg:$0x0] =	wrdreg $0x60  }
0xae: {  	[dreg:$0x2] =	wrdreg s24  }
0xaf: {  	[dreg:$0x3] =	wrdreg s2  }
0xb0: {  	[dreg:$0x4] =	wrdreg $0x9  }
0xb1: {  	_ =	task.clear_ibuf [dreg:s7], $0x5FFFF;
	_ =	strace $0x90000046  }
0xb2: {  	s29 =	simm.s32 $0x9;
	_ =	strace $0x80000048  }
0xb3: {  	_ =	swait.ge [sflag:s29], $0x1  }
0xb4: {  	[sflag:s29] =	ssyncadd.s32 $0xFFFFFFFF  }
0xb5: {  	_ =	strace $0x90000048  }
0xb6: {  	_ =	sfence  }
0xb7: {  	s30 =	sld [smem:$0x0];
	_ =	sdelay $0x2  }
0xb8: {  	s31 =	sshll.u32 s1, $0xD;
	s1 =	sshrl.u32 s1, $0x2  }
0xb9: {  	s3 =	sand.u32 $0x4000, s31;
	s1 =	sadd.s32 s1, s30  }
0xba: {  	s0 =	sor.u32 s3, s0;
	s1 =	sshll.u32 s1, $0x11  }
0xbb: {  	s0 =	sor.u32 s1, s0  }
0xbc: {  	s0 =	sadd.s32 $0x8F2B, s0  }
0xbd: {  	[sflag:s0] =	ssyncadd.remote.s32 $0x1  }
0xbe: {  	_ =	sfence.sel $0xFFFF  }
0xbf: {  	[dreg:$0x0] =	wrdreg $0xFFFFFFFF;
	(pc) =	sbr.abs _section_cstart, $3  }
0xc0: {  	[dreg:$0x1] =	wrdreg $0xFFFFFFFF  }
0xc1: {  	_ =	task.clear_ibuf [dreg:s7], $0x2FFFF;
	_ =	strace $0x9FFFFFFF  }
0xc2: {  	(tm) =	ssettm $0x7FFFFFFF  }
0xc3: {  	_ =	shalt  }
tec
execute0_lowered:
.L_overlay_start_1:
0x0: {  	(tag) =	ssettag $0x1  }
0x1: {  	s4 =	rddreg [dreg:$0x0]  }
0x2: {  	s5 =	rddreg [dreg:$0x1]  }
0x3: {  	s0 =	rddreg [dreg:$0x2]  }
0x4: {  	s2 =	simm.s32 $0x0;
	s3 =	srdreg.scid;
	s1 =	stileid.u32  }
0x5: {  	s11 =	simm.s32 $0x200;
	s12 =	simm.s32 $0x3;
	s13 =	simm.s32 $0x2200  }
0x6: {  	s14 =	simm.s32 $0x1;
	s15 =	simm.s32 $0x100;
	s16 =	simm.s32 $0x2  }
0x7: {  	s17 =	simm.s32 $0x180;
	s18 =	simm.s32 $0xC200;
	s19 =	simm.s32 $0x0  }
0x8: {  	[smem:$0x7FF] =	sst s2;
	s6 =	sand.u32 $0x1, s3;
	s7 =	sshll.u32 s1, $0x1  }
0x9: {  	s3 =	sadd.s32 $0xF42600, s4;
	_ =	strace $0x80000047;
	s7 =	sor.u32 s6, s7  }
0xa: {  	s6 =	ssub.s32 $0x2, s6;
	s8 =	sshll.u32 s7, $0xC;
	s9 =	sshll.u32 s7, $0x1  }
0xb: {  	s30 =	sshrl.u32 s6, $0x1;
	s31 =	sshll.u32 s7, $0x6;
	s8 =	sadd.s32 s8, s4  }
0xc: {  	s9 =	sadd.s32 s9, s4;
	s10 =	ssub.s32 s6, s30;
	s5 =	sadd.s32 s5, s31  }
0xd: {  	s4 =	sadd.s32 $0x200, s8;
	s6 =	sadd.s32 $0x20200, s9;
	s7 =	smax.u32 s10, $0x1  }
0xe: {  	s8 =	simm.s32 $0x4200;
	s9 =	simm.s32 $0x4;
	s10 =	simm.s32 $0x80  }
.LBB2_1:
0xf: {  	[tilespmem:s8], [sflag:$0x3] =	stream.linear.gather [hbm4b:s4+s2], $0x8000, $0x38;
	[tilespmem:$0xC210] =	vst v63  }
0x10: {  	_ = 	snop  }
0x11: {  	[tilespmem:s2], [sflag:$0x4] =	stream.linear.gather [hbm4b:s5+s2], $0x200, $0x38;
	[tilespmem:$0xC210] =	vst v63  }
0x12: {  	_ =	swait.ge [sflag:s9], $0x200  }
0x13: {  	[sflag:s9] =	ssyncset.done $0x0  }
0x14: {  	[sflag:s9] =	ssyncadd.s32 $0xFFFFFE00  }
0x15: {  	[tilespmem:s11], [sflag:$0x1] =	stream.indirect.gather [hbm4b:s3+s10], $0x40, s2, s10, $0xb8;
	[tilespmem:$0xC210] =	vst v63  }
0x16: {  	_ =	swait.ge [sflag:s12], $0x8000  }
0x17: {  	[sflag:s12] =	ssyncset.done $0x0  }
0x18: {  	[sflag:s12] =	ssyncadd.s32 $0xFFFF8000  }
0x19: {  	[tilespmem:s13], [sflag:$0x2] =	stream.indirect.gather [hbm4b:s3+s10], $0x40, s10, s10, $0xb8;
	[tilespmem:$0xC210] =	vst v63  }
0x1a: {  	_ =	swait.ge [sflag:s14], $0x2000  }
0x1b: {  	[sflag:s14] =	ssyncset.done $0x0  }
0x1c: {  	s20 =	simm.s32 $0x0;
	[sflag:s14] =	ssyncadd.s32 $0xFFFFE000  }
0x1d: {  	v0 =	vld [tilespmem:s20+$0x4240]  }
0x1e: {  	v7 =	vld [tilespmem:s20+$0x240]  }
0x1f: {  	v4 =	vld [tilespmem:s20+$0x4250]  }
0x20: {  	v12 =	vld [tilespmem:s20+$0x250]  }
0x21: {  	v3 =	vld [tilespmem:s20+$0x4260]  }
0x22: {  	v5 =	vld [tilespmem:s20+$0x260]  }
0x23: {  	v13 =	vld [tilespmem:s20+$0x4200]  }
0x24: {  	v14 =	vld [tilespmem:s20+$0x200]  }
0x25: {  	v15 =	vld [tilespmem:s20+$0x4210]  }
0x26: {  	v17 =	vld [tilespmem:s20+$0x210]  }
0x27: {  	v16 =	vld [tilespmem:s20+$0x4220]  }
0x28: {  	v10 =	vimm.f32 $0.0e+00;
	v19 =	vld [tilespmem:s20+$0x220]  }
0x29: {  	s21 =	simm.s32 $0x200;
	v11 =	vimm.f32 $0.0e+00;
	v9 =	vimm.f32 $0.0e+00;
	v8 =	vimm.f32 $0.0e+00;
	v18 =	vld [tilespmem:s20+$0x4230]  }
.LBB2_2:
0x2a: {  	p0 =	sne.s32 s21, $0x7E00;
	v1 =	vld [tilespmem:s20+$0x230]  }
0x2b: {  	v2 =	vld [tilespmem:s20+$0x4270]  }
0x2c: {  	v6 =	vsub.f32 v0, v7;
	v20 =	vld [tilespmem:s20+$0x270];
	s20 =	sshra.s32 s21, $0x2  }
0x2d: {  	v13 =	vsub.f32 v13, v14;
	v12 =	vsub.f32 v4, v12;
	v0 =	vld [tilespmem:s20+$0x4240]  }
0x2e: {  	v14 =	vsub.f32 v15, v17;
	v15 =	vsub.f32 v16, v19;
	v7 =	vld [tilespmem:s20+$0x240]  }
0x2f: {  	v6 =	vmul.f32 v6, v6;
	v16 =	vmul.f32 v12, v12;
	v4 =	vld [tilespmem:s20+$0x4250];
	v1 =	vsub.f32 v18, v1  }
0x30: {  	v17 =	vsub.f32 v3, v5;
	v13 =	vmul.f32 v13, v13;
	v14 =	vmul.f32 v14, v14;
	v12 =	vld [tilespmem:s20+$0x250]  }
0x31: {  	v15 =	vmul.f32 v15, v15;
	v3 =	vld [tilespmem:s20+$0x4260];
	v1 =	vmul.f32 v1, v1;
	v2 =	vsub.f32 v2, v20  }
0x32: {  	v17 =	vmul.f32 v17, v17;
	v10 =	vadd.f32 v13, v10;
	v11 =	vadd.f32 v14, v11;
	v5 =	vld [tilespmem:s20+$0x260]  }
0x33: {  	v9 =	vadd.f32 v15, v9;
	v13 =	vld [tilespmem:s20+$0x4200];
	v1 =	vadd.f32 v1, v8;
	v2 =	vmul.f32 v2, v2  }
0x34: {  	v10 =	vadd.f32 v6, v10;
	v11 =	vadd.f32 v16, v11;
	v14 =	vld [tilespmem:s20+$0x200]  }
.Ltmp0:
0x35: {  	v9 =	vadd.f32 v17, v9;
	v15 =	vld [tilespmem:s20+$0x4210];
	v8 =	vadd.f32 v2, v1;
	(pc) =	sbr.rel @p0 .LBB2_2-.Ltmp0, $4  }
0x36: {  	v17 =	vld [tilespmem:s20+$0x210]  }
0x37: {  	v16 =	vld [tilespmem:s20+$0x4220]  }
0x38: {  	v19 =	vld [tilespmem:s20+$0x220]  }
0x39: {  	s21 =	sadd.s32 $0x200, s21;
	v18 =	vld [tilespmem:s20+$0x4230]  }
0x3a: {  	v20 =	vld [tilespmem:s20+$0x230]  }
0x3b: {  	v21 =	vld [tilespmem:s20+$0x4270]  }
0x3c: {  	v22 =	vld [tilespmem:s20+$0x270];
	[tilespmem:s11], [sflag:$0x1] =	stream.indirect.gather [hbm4b:s3+s10], $0x40, s15, s10, $0xb8  }
0x3d: {  	_ =	swait.ge [sflag:s16], $0x2000  }
0x3e: {  	[sflag:s16] =	ssyncset.done $0x0  }
0x3f: {  	s20 =	simm.s32 $0x0;
	[sflag:s16] =	ssyncadd.s32 $0xFFFFE000  }
0x40: {  	v1 =	vld [tilespmem:s20+$0x6240]  }
0x41: {  	v6 =	vld [tilespmem:s20+$0x2240]  }
0x42: {  	v2 =	vld [tilespmem:s20+$0x6250]  }
0x43: {  	v23 =	vsub.f32 v0, v7;
	v13 =	vsub.f32 v13, v14;
	v7 =	vld [tilespmem:s20+$0x2250]  }
0x44: {  	v12 =	vsub.f32 v4, v12;
	v0 =	vld [tilespmem:s20+$0x6260]  }
0x45: {  	v3 =	vsub.f32 v3, v5;
	v14 =	vsub.f32 v15, v17;
	v17 =	vmul.f32 v13, v13;
	v4 =	vld [tilespmem:s20+$0x2260]  }
0x46: {  	v15 =	vsub.f32 v16, v19;
	v13 =	vld [tilespmem:s20+$0x6200];
	v16 =	vsub.f32 v18, v20  }
0x47: {  	v3 =	vmul.f32 v3, v3;
	v10 =	vadd.f32 v17, v10;
	v18 =	vmul.f32 v14, v14;
	v14 =	vld [tilespmem:s20+$0x2200]  }
0x48: {  	v5 =	vmul.f32 v15, v15;
	v19 =	vsub.f32 v21, v22;
	v15 =	vld [tilespmem:s20+$0x6210];
	v17 =	vmul.f32 v16, v16  }
0x49: {  	v20 =	vmul.f32 v12, v12;
	v11 =	vadd.f32 v18, v11;
	v18 =	vmul.f32 v23, v23;
	v16 =	vld [tilespmem:s20+$0x2210]  }
0x4a: {  	v5 =	vadd.f32 v5, v9;
	v9 =	vmul.f32 v19, v19;
	v19 =	vld [tilespmem:s20+$0x6230];
	v8 =	vadd.f32 v17, v8  }
0x4b: {  	v17 =	vld [tilespmem:s20+$0x6220];
	v12 =	vadd.f32 v18, v10;
	v11 =	vadd.f32 v20, v11  }
0x4c: {  	s21 =	simm.s32 $0x200;
	v18 =	vld [tilespmem:s20+$0x2220];
	v10 =	vadd.f32 v3, v5;
	v9 =	vadd.f32 v9, v8  }
.LBB2_4:
0x4d: {  	p0 =	sne.s32 s21, $0x7E00;
	v3 =	vld [tilespmem:s20+$0x2230]  }
0x4e: {  	v5 =	vld [tilespmem:s20+$0x6270]  }
0x4f: {  	v8 =	vsub.f32 v1, v6;
	v20 =	vld [tilespmem:s20+$0x2270];
	s20 =	sshra.s32 s21, $0x2  }
0x50: {  	v13 =	vsub.f32 v13, v14;
	v7 =	vsub.f32 v2, v7;
	v1 =	vld [tilespmem:s20+$0x6240]  }
0x51: {  	v14 =	vsub.f32 v15, v16;
	v15 =	vsub.f32 v17, v18;
	v6 =	vld [tilespmem:s20+$0x2240]  }
0x52: {  	v8 =	vmul.f32 v8, v8;
	v16 =	vmul.f32 v7, v7;
	v2 =	vld [tilespmem:s20+$0x6250];
	v3 =	vsub.f32 v19, v3  }
0x53: {  	v13 =	vmul.f32 v13, v13;
	v14 =	vmul.f32 v14, v14;
	v17 =	vsub.f32 v0, v4;
	v7 =	vld [tilespmem:s20+$0x2250]  }
0x54: {  	v15 =	vmul.f32 v15, v15;
	v0 =	vld [tilespmem:s20+$0x6260];
	v3 =	vmul.f32 v3, v3;
	v5 =	vsub.f32 v5, v20  }
0x55: {  	v12 =	vadd.f32 v13, v12;
	v11 =	vadd.f32 v14, v11;
	v17 =	vmul.f32 v17, v17;
	v4 =	vld [tilespmem:s20+$0x2260]  }
0x56: {  	v10 =	vadd.f32 v15, v10;
	v13 =	vld [tilespmem:s20+$0x6200];
	v3 =	vadd.f32 v3, v9;
	v5 =	vmul.f32 v5, v5  }
0x57: {  	v12 =	vadd.f32 v8, v12;
	v11 =	vadd.f32 v16, v11;
	v14 =	vld [tilespmem:s20+$0x2200]  }
.Ltmp1:
0x58: {  	v10 =	vadd.f32 v17, v10;
	v15 =	vld [tilespmem:s20+$0x6210];
	v9 =	vadd.f32 v5, v3;
	(pc) =	sbr.rel @p0 .LBB2_4-.Ltmp1, $4  }
0x59: {  	v16 =	vld [tilespmem:s20+$0x2210]  }
0x5a: {  	v17 =	vld [tilespmem:s20+$0x6220]  }
0x5b: {  	v18 =	vld [tilespmem:s20+$0x2220]  }
0x5c: {  	s21 =	sadd.s32 $0x200, s21;
	v19 =	vld [tilespmem:s20+$0x6230]  }
0x5d: {  	v20 =	vld [tilespmem:s20+$0x2230]  }
0x5e: {  	v21 =	vld [tilespmem:s20+$0x6270]  }
0x5f: {  	v22 =	vld [tilespmem:s20+$0x2270];
	[tilespmem:s13], [sflag:$0x2] =	stream.indirect.gather [hbm4b:s3+s10], $0x40, s17, s10, $0xb8  }
0x60: {  	_ =	swait.ge [sflag:s14], $0x2000  }
0x61: {  	[sflag:s14] =	ssyncset.done $0x0  }
0x62: {  	s20 =	simm.s32 $0x0;
	[sflag:s14] =	ssyncadd.s32 $0xFFFFE000  }
0x63: {  	v5 =	vld [tilespmem:s20+$0x8240]  }
0x64: {  	v8 =	vld [tilespmem:s20+$0x240]  }
0x65: {  	v3 =	vld [tilespmem:s20+$0x8250]  }
0x66: {  	v23 =	vsub.f32 v1, v6;
	v13 =	vsub.f32 v13, v14;
	v6 =	vld [tilespmem:s20+$0x250]  }
0x67: {  	v14 =	vsub.f32 v15, v16;
	v1 =	vld [tilespmem:s20+$0x8260]  }
0x68: {  	v7 =	vsub.f32 v2, v7;
	v13 =	vmul.f32 v13, v13;
	v2 =	vld [tilespmem:s20+$0x260]  }
0x69: {  	v15 =	vsub.f32 v17, v18;
	v17 =	vmul.f32 v14, v14;
	v14 =	vld [tilespmem:s20+$0x8200];
	v16 =	vsub.f32 v19, v20  }
0x6a: {  	v4 =	vsub.f32 v0, v4;
	v7 =	vmul.f32 v7, v7;
	v0 =	vld [tilespmem:s20+$0x200];
	v12 =	vadd.f32 v13, v12  }
0x6b: {  	v18 =	vmul.f32 v15, v15;
	v19 =	vsub.f32 v21, v22;
	v15 =	vld [tilespmem:s20+$0x8210];
	v13 =	vmul.f32 v16, v16  }
0x6c: {  	v4 =	vmul.f32 v4, v4;
	v11 =	vadd.f32 v17, v11;
	v20 =	vmul.f32 v23, v23;
	v17 =	vld [tilespmem:s20+$0x8220]  }
0x6d: {  	v10 =	vadd.f32 v18, v10;
	v16 =	vld [tilespmem:s20+$0x210];
	v19 =	vmul.f32 v19, v19;
	v9 =	vadd.f32 v13, v9  }
0x6e: {  	v18 =	vld [tilespmem:s20+$0x220];
	v13 =	vadd.f32 v20, v12;
	v12 =	vadd.f32 v7, v11  }
0x6f: {  	s21 =	simm.s32 $0x200;
	v11 =	vadd.f32 v4, v10;
	v10 =	vadd.f32 v19, v9;
	v19 =	vld [tilespmem:s20+$0x8230]  }
.LBB2_6:
0x70: {  	p0 =	sne.s32 s21, $0x7E00;
	v4 =	vld [tilespmem:s20+$0x230]  }
0x71: {  	v7 =	vld [tilespmem:s20+$0x8270]  }
0x72: {  	v9 =	vsub.f32 v5, v8;
	v20 =	vld [tilespmem:s20+$0x270];
	s20 =	sshra.s32 s21, $0x2  }
0x73: {  	v0 =	vsub.f32 v14, v0;
	v6 =	vsub.f32 v3, v6;
	v5 =	vld [tilespmem:s20+$0x8240]  }
0x74: {  	v14 =	vsub.f32 v15, v16;
	v15 =	vsub.f32 v17, v18;
	v8 =	vld [tilespmem:s20+$0x240]  }
0x75: {  	v9 =	vmul.f32 v9, v9;
	v16 =	vmul.f32 v6, v6;
	v3 =	vld [tilespmem:s20+$0x8250];
	v4 =	vsub.f32 v19, v4  }
0x76: {  	v0 =	vmul.f32 v0, v0;
	v14 =	vmul.f32 v14, v14;
	v17 =	vsub.f32 v1, v2;
	v6 =	vld [tilespmem:s20+$0x250]  }
0x77: {  	v15 =	vmul.f32 v15, v15;
	v1 =	vld [tilespmem:s20+$0x8260];
	v4 =	vmul.f32 v4, v4;
	v7 =	vsub.f32 v7, v20  }
0x78: {  	v13 =	vadd.f32 v0, v13;
	v12 =	vadd.f32 v14, v12;
	v17 =	vmul.f32 v17, v17;
	v2 =	vld [tilespmem:s20+$0x260]  }
0x79: {  	v11 =	vadd.f32 v15, v11;
	v14 =	vld [tilespmem:s20+$0x8200];
	v4 =	vadd.f32 v4, v10;
	v7 =	vmul.f32 v7, v7  }
0x7a: {  	v13 =	vadd.f32 v9, v13;
	v12 =	vadd.f32 v16, v12;
	v0 =	vld [tilespmem:s20+$0x200]  }
.Ltmp2:
0x7b: {  	v11 =	vadd.f32 v17, v11;
	v15 =	vld [tilespmem:s20+$0x8210];
	v10 =	vadd.f32 v7, v4;
	(pc) =	sbr.rel @p0 .LBB2_6-.Ltmp2, $4  }
0x7c: {  	v16 =	vld [tilespmem:s20+$0x210]  }
0x7d: {  	v17 =	vld [tilespmem:s20+$0x8220]  }
0x7e: {  	v18 =	vld [tilespmem:s20+$0x220]  }
0x7f: {  	s21 =	sadd.s32 $0x200, s21;
	v19 =	vld [tilespmem:s20+$0x8230]  }
0x80: {  	v20 =	vld [tilespmem:s20+$0x230]  }
0x81: {  	v21 =	vld [tilespmem:s20+$0x8270]  }
0x82: {  	v22 =	vld [tilespmem:s20+$0x270];
	_ =	swait.ge [sflag:s16], $0x2000  }
0x83: {  	[sflag:s16] =	ssyncset.done $0x0  }
0x84: {  	s20 =	simm.s32 $0x0;
	[sflag:s16] =	ssyncadd.s32 $0xFFFFE000  }
0x85: {  	v4 =	vld [tilespmem:s20+$0xA240]  }
0x86: {  	v9 =	vld [tilespmem:s20+$0x2240]  }
0x87: {  	v7 =	vld [tilespmem:s20+$0xA250]  }
0x88: {  	v8 =	vsub.f32 v5, v8;
	v14 =	vsub.f32 v14, v0;
	v5 =	vld [tilespmem:s20+$0x2250]  }
0x89: {  	v6 =	vsub.f32 v3, v6;
	v15 =	vsub.f32 v15, v16;
	v0 =	vld [tilespmem:s20+$0xA260]  }
0x8a: {  	v1 =	vsub.f32 v1, v2;
	v16 =	vsub.f32 v17, v18;
	v3 =	vld [tilespmem:s20+$0x2260]  }
0x8b: {  	v18 =	vmul.f32 v14, v14;
	v14 =	vld [tilespmem:s20+$0xA200];
	v17 =	vsub.f32 v19, v20;
	v19 =	vmul.f32 v15, v15  }
0x8c: {  	v8 =	vmul.f32 v8, v8;
	v2 =	vmul.f32 v16, v16;
	v16 =	vsub.f32 v21, v22;
	v15 =	vld [tilespmem:s20+$0x2200]  }
0x8d: {  	v13 =	vadd.f32 v18, v13;
	v17 =	vmul.f32 v17, v17;
	v18 =	vadd.f32 v19, v12;
	v12 =	vld [tilespmem:s20+$0xA210]  }
0x8e: {  	v1 =	vmul.f32 v1, v1;
	v19 =	vmul.f32 v6, v6;
	v2 =	vadd.f32 v2, v11;
	v11 =	vld [tilespmem:s20+$0x2210]  }
0x8f: {  	v16 =	vmul.f32 v16, v16;
	v6 =	vadd.f32 v8, v13;
	v13 =	vld [tilespmem:s20+$0x2220];
	v17 =	vadd.f32 v17, v10  }
0x90: {  	v10 =	vld [tilespmem:s20+$0xA220];
	v8 =	vadd.f32 v19, v18  }
0x91: {  	s21 =	simm.s32 $0x200;
	v1 =	vadd.f32 v1, v2;
	v2 =	vadd.f32 v16, v17;
	v16 =	vld [tilespmem:s20+$0xA230]  }
.LBB2_8:
0x92: {  	p0 =	sne.s32 s21, $0x7E00;
	v17 =	vld [tilespmem:s20+$0x2230]  }
0x93: {  	v18 =	vld [tilespmem:s20+$0xA270]  }
0x94: {  	v19 =	vsub.f32 v4, v9;
	v20 =	vld [tilespmem:s20+$0x2270];
	s20 =	sshra.s32 s21, $0x2  }
0x95: {  	v14 =	vsub.f32 v14, v15;
	v5 =	vsub.f32 v7, v5;
	v4 =	vld [tilespmem:s20+$0xA240]  }
0x96: {  	v11 =	vsub.f32 v12, v11;
	v10 =	vsub.f32 v10, v13;
	v9 =	vld [tilespmem:s20+$0x2240]  }
0x97: {  	v13 =	vmul.f32 v19, v19;
	v7 =	vld [tilespmem:s20+$0xA250];
	v12 =	vsub.f32 v16, v17;
	v16 =	vmul.f32 v5, v5  }
0x98: {  	v15 =	vsub.f32 v0, v3;
	v14 =	vmul.f32 v14, v14;
	v11 =	vmul.f32 v11, v11;
	v5 =	vld [tilespmem:s20+$0x2250]  }
0x99: {  	v10 =	vmul.f32 v10, v10;
	v0 =	vld [tilespmem:s20+$0xA260];
	v12 =	vmul.f32 v12, v12;
	v17 =	vsub.f32 v18, v20  }
0x9a: {  	v6 =	vadd.f32 v14, v6;
	v8 =	vadd.f32 v11, v8;
	v11 =	vmul.f32 v15, v15;
	v3 =	vld [tilespmem:s20+$0x2260]  }
0x9b: {  	v1 =	vadd.f32 v10, v1;
	v14 =	vld [tilespmem:s20+$0xA200];
	v2 =	vadd.f32 v12, v2;
	v10 =	vmul.f32 v17, v17  }
0x9c: {  	v6 =	vadd.f32 v13, v6;
	v8 =	vadd.f32 v16, v8;
	v15 =	vld [tilespmem:s20+$0x2200]  }
.Ltmp3:
0x9d: {  	v1 =	vadd.f32 v11, v1;
	v12 =	vld [tilespmem:s20+$0xA210];
	v2 =	vadd.f32 v10, v2;
	(pc) =	sbr.rel @p0 .LBB2_8-.Ltmp3, $4  }
0x9e: {  	v11 =	vld [tilespmem:s20+$0x2210]  }
0x9f: {  	v10 =	vld [tilespmem:s20+$0xA220]  }
0xa0: {  	v13 =	vld [tilespmem:s20+$0x2220]  }
0xa1: {  	s21 =	sadd.s32 $0x200, s21;
	v16 =	vld [tilespmem:s20+$0xA230]  }
0xa2: {  	v17 =	vld [tilespmem:s20+$0x2230]  }
0xa3: {  	v18 =	vld [tilespmem:s20+$0xA270]  }
0xa4: {  	v4 =	vsub.f32 v4, v9;
	v55 =	vld [tilespmem:s20+$0x2270]  }
0xa5: {  	v5 =	vsub.f32 v7, v5  }
0xa6: {  	v14 =	vsub.f32 v14, v15;
	v56 =	vsub.f32 v12, v11;
	v4 =	vmul.f32 v4, v4  }
0xa7: {  	v5 =	vmul.f32 v5, v5;
	v10 =	vsub.f32 v10, v13;
	v57 =	vsub.f32 v16, v17  }
0xa8: {  	v0 =	vsub.f32 v0, v3;
	v58 =	vmul.f32 v14, v14;
	v7 =	vmul.f32 v56, v56  }
0xa9: {  	v59 =	vmul.f32 v10, v10;
	v9 =	vsub.f32 v18, v55;
	v60 =	vmul.f32 v57, v57  }
0xaa: {  	v0 =	vmul.f32 v0, v0;
	v6 =	vadd.f32 v58, v6;
	v7 =	vadd.f32 v7, v8  }
0xab: {  	v1 =	vadd.f32 v59, v1;
	v61 =	vmul.f32 v9, v9;
	v2 =	vadd.f32 v60, v2  }
0xac: {  	v4 =	vadd.f32 v4, v6;
	v5 =	vadd.f32 v5, v7  }
0xad: {  	v0 =	vadd.f32 v0, v1;
	v62 =	vadd.f32 v61, v2;
	_ =	sdelay $0x1  }
0xae: {  	v63 =	vadd.f32 v5, v4;
	v0 =	vadd.f32 v62, v0;
	_ =	sdelay $0x1  }
0xaf: {  	s19 =	sadd.s32 $0x1, s19;
	v0 =	vadd.f32 v0, v63  }
0xb0: {  	p0 =	sne.s32 s19, s7  }
.Ltmp4:
0xb1: {  	[tilespmem:$0xC200] =	vst v0;
	(pc) =	sbr.rel @p0 .LBB2_1-.Ltmp4, $4  }
0xb2: {  	[hbm4b:s6+s2] =	stream.linear.scatter [tilespmem:s18], [sflag:$0x4], $0x10, $0x38;
	[tilespmem:$0xC210] =	vst v63  }
0xb3: {  	_ =	swait.ge [sflag:s9], $0x10  }
0xb4: {  	[sflag:s9] =	ssyncset.done $0x0  }
0xb5: {  	[sflag:s9] =	ssyncadd.s32 $0xFFFFFFF0  }
0xb6: {  	_ =	sfence.sel $0x180000  }
0xb7: {  	[bflag:$0x0] =	sbarrier.arrive $0xFFFF  }
0xb8: {  	p0 =	sne.s32 s1, $0x0;
	_ =	strace $0x90000047  }
0xb9: {  	s0 =	sadd.s32 @!p0 $0x100000, s0;
	[bflag:$0x2] =	sbarrier.arrive $0xFFFF  }
0xba: {  	[sflag:s0] =	ssyncadd.tile.s32 @!p0 $0x1;
	_ =	shalt  }
.Lfunc_end2:
_tile_overlayer_lowered:
.L_overlay_start_2:
0xbb: {  	(tag) =	ssettag $0x2  }
0xbc: {  	s0 =	rddreg [dreg:$0x0];
	s2 =	stileid.u32  }
0xbd: {  	s1 =	rddreg [dreg:$0x1];
	p0 =	sne.s32 s2, $0x0  }
0xbe: {  	s3 =	rddreg [dreg:$0x2];
	[bflag:$0x3] =	sbarrier.arrive $0xFFFF;
	s2 =	simm.s32 @!p0 $0x1C04  }
0xbf: {  	[timem:s3], [sflag:s2] =	dma.local @!p0 [hbm:s0], s1  }
0xc0: {  	s0 =	simm.s32 @!p0 $0x4  }
0xc1: {  	_ =	swait.ge @!p0 [sflag:s0], s1  }
0xc2: {  	s1 =	ssub.s32 @!p0 $0x0, s1;
	[sflag:s0] =	ssyncset.done @!p0 $0x0  }
0xc3: {  	[sflag:s0] =	ssyncadd.s32 @!p0 s1  }
0xc4: {  	[bflag:$0x3] =	sbarrier.arrive $0xFFFF  }
0xc5: {  	_ =	shalt  }

</sc_bundles>
